<compile_context>
chip_gen: v7x
topology: tpu7x:2x2x1
jax: 0.10.2.dev20260603
libtpu: 0.0.44.dev20260713+nightly
codegen_flags: <defaults>
</compile_context>

<pallas_src>
import jax
import jax.numpy as jnp
from jax.experimental import pallas as pl
from jax.experimental.pallas import tpu as pltpu

N_F = 20000
N_C = 256
D_F = 256
K_PATCH = 64
NUM_CORR = 256
SINK_ITERS = 100
NEG = -1e4

BBLK = 32
NPAD = 72
MPAD = 128


def _ot_kernel(alpha_ref, rfeat_ref, sfeat_ref, rowm_ref, colm_ref, out_ref):
    a = alpha_ref[0]
    rf = rfeat_ref[...]
    sf = sfeat_ref[...]
    scores = jax.lax.dot_general(
        rf, sf, (((2,), (2,)), ((0,), (0,))),
        preferred_element_type=jnp.float32) * (1.0 / 16.0)

    rowm = rowm_ref[...][:, :, None]
    colm = colm_ref[...][:, None, :]
    ii = jax.lax.broadcasted_iota(jnp.int32, (1, NPAD, 1), 1)
    jj = jax.lax.broadcasted_iota(jnp.int32, (1, 1, MPAD), 2)
    edge = (ii == K_PATCH) | (jj == K_PATCH)
    rv = rowm > 0.5
    cv = colm > 0.5
    Z = jnp.where(rv & cv, jnp.where(edge, a, scores),
                  jnp.where(rv == cv, -NEG, 0.0))

    nr = jnp.sum(rowm, axis=1, keepdims=True) - 1.0
    nc = jnp.sum(colm, axis=2, keepdims=True) - 1.0
    norm = -jnp.log(nr + nc + 1e-12)
    log_mu = jnp.where(ii == K_PATCH, jnp.log(nc + 1e-12) + norm,
                       jnp.where(rowm > 0.5, norm, NEG))
    log_nu = jnp.where(jj == K_PATCH, jnp.log(nr + 1e-12) + norm,
                       jnp.where(colm > 0.5, norm, NEG))

    def lse(x, axis):
        s = jnp.sum(jnp.exp(x), axis=axis, keepdims=True)
        return jnp.log(jnp.maximum(s, 1e-30))

    def body(_, carry):
        u, v = carry
        u = log_mu - lse(Z + v, 2)
        v = log_nu - lse(Z + u, 1)
        return u, v

    u0 = jnp.zeros_like(log_mu)
    v0 = jnp.where(cv, 0.0, NEG) + jnp.zeros_like(log_nu)
    u, v = jax.lax.fori_loop(0, SINK_ITERS, body, (u0, v0))
    out = Z + u + v
    out_ref[...] = out[:, :K_PATCH + 1, :K_PATCH + 1]


CBLK = 64
FINF = 3.4e38
IBIG = 2**30


def _knn_kernel(pc_ref, pft_ref, knn_ref, mn_ref, ci_ref):
    b = pl.program_id(0)
    pc = pc_ref[...]
    d2 = None
    for d in range(3):
        diff = pc[:, d:d + 1] - pft_ref[d:d + 1, :]
        sq = diff * diff
        d2 = sq if d2 is None else d2 + sq

    c_iota = jax.lax.broadcasted_iota(jnp.int32, (CBLK, N_F), 0) + b * CBLK
    mn = jnp.min(d2, axis=0, keepdims=True)
    ci = jnp.min(jnp.where(d2 == mn, c_iota, jnp.int32(IBIG)), axis=0, keepdims=True)
    mn_ref[...] = mn.reshape(1, 1, N_F)
    ci_ref[...] = ci.reshape(1, 1, N_F)

    vals = -d2
    li = jax.lax.broadcasted_iota(jnp.int32, (CBLK, N_F), 1)
    col = jax.lax.broadcasted_iota(jnp.int32, (CBLK, K_PATCH), 1)

    def body(t, carry):
        cand, acc = carry
        m = jnp.max(cand, axis=1, keepdims=True)
        idx = jnp.min(jnp.where(cand == m, li, jnp.int32(IBIG)), axis=1, keepdims=True)
        acc = jnp.where(col == t, idx, acc)
        cand = jnp.where(li == idx, jnp.float32(-FINF), cand)
        return cand, acc

    acc0 = jnp.zeros((CBLK, K_PATCH), jnp.int32)
    _, acc = jax.lax.fori_loop(0, K_PATCH, body, (vals, acc0))
    knn_ref[...] = acc


def _partition(points_f, points_c, k):
    nc = points_c.shape[0]
    pft = points_f.T
    knn_indices, mn4, ci4 = pl.pallas_call(
        _knn_kernel,
        grid=(nc // CBLK,),
        in_specs=[
            pl.BlockSpec((CBLK, 3), lambda b: (b, 0)),
            pl.BlockSpec((3, N_F), lambda b: (0, 0)),
        ],
        out_specs=[
            pl.BlockSpec((CBLK, K_PATCH), lambda b: (b, 0)),
            pl.BlockSpec((1, 1, N_F), lambda b: (b, 0, 0)),
            pl.BlockSpec((1, 1, N_F), lambda b: (b, 0, 0)),
        ],
        out_shape=[
            jax.ShapeDtypeStruct((nc, K_PATCH), jnp.int32),
            jax.ShapeDtypeStruct((nc // CBLK, 1, N_F), jnp.float32),
            jax.ShapeDtypeStruct((nc // CBLK, 1, N_F), jnp.int32),
        ],
    )(points_c, pft)
    mn4 = mn4[:, 0, :]
    ci4 = ci4[:, 0, :]
    blk = jnp.argmin(mn4, axis=0)
    point_to_node = jnp.take_along_axis(ci4, blk[None, :], axis=0)[0]
    node_masks = jnp.zeros(nc, dtype=bool).at[point_to_node].set(True)
    knn_masks = point_to_node[knn_indices] == jnp.arange(nc)[:, None]
    return point_to_node, node_masks, knn_indices, knn_masks


def kernel(ref_points_f, src_points_f, ref_feats_f, src_feats_f,
           ref_points_c, src_points_c, ref_feats_c, src_feats_c, alpha):
    _, ref_node_masks, ref_knn_idx, ref_knn_masks = _partition(
        ref_points_f, ref_points_c, K_PATCH)
    _, src_node_masks, src_knn_idx, src_knn_masks = _partition(
        src_points_f, src_points_c, K_PATCH)

    ref_n = ref_feats_c / (jnp.linalg.norm(ref_feats_c, axis=1, keepdims=True) + 1e-12)
    src_n = src_feats_c / (jnp.linalg.norm(src_feats_c, axis=1, keepdims=True) + 1e-12)
    dist = 2.0 - 2.0 * (ref_n @ src_n.T)
    s = jnp.exp(-dist)
    s = jnp.where(ref_node_masks[:, None] & src_node_masks[None, :], s, 0.0)
    ref_ms = s / (s.sum(1, keepdims=True) + 1e-12)
    src_ms = s / (s.sum(0, keepdims=True) + 1e-12)
    s = ref_ms * src_ms
    _, corr_idx = jax.lax.top_k(s.reshape(-1), NUM_CORR)
    ref_ci = corr_idx // N_C
    src_ci = corr_idx % N_C

    rknn = ref_knn_idx[ref_ci]
    sknn = src_knn_idx[src_ci]
    rmask = ref_knn_masks[ref_ci]
    smask = src_knn_masks[src_ci]
    ref_pad = jnp.concatenate([ref_feats_f, jnp.zeros_like(ref_feats_f[:1])], 0)
    src_pad = jnp.concatenate([src_feats_f, jnp.zeros_like(src_feats_f[:1])], 0)
    rfeats = ref_pad[rknn]
    sfeats = src_pad[sknn]

    rf_pad = jnp.pad(rfeats, ((0, 0), (0, NPAD - K_PATCH), (0, 0)))
    sf_pad = jnp.pad(sfeats, ((0, 0), (0, MPAD - K_PATCH), (0, 0)))
    rowm = jnp.pad(rmask.astype(jnp.float32), ((0, 0), (0, NPAD - K_PATCH)))
    rowm = rowm.at[:, K_PATCH].set(1.0)
    colm = jnp.pad(smask.astype(jnp.float32), ((0, 0), (0, MPAD - K_PATCH)))
    colm = colm.at[:, K_PATCH].set(1.0)

    out = pl.pallas_call(
        _ot_kernel,
        grid=(NUM_CORR // BBLK,),
        in_specs=[
            pl.BlockSpec(memory_space=pltpu.SMEM),
            pl.BlockSpec((BBLK, NPAD, D_F), lambda b: (b, 0, 0)),
            pl.BlockSpec((BBLK, MPAD, D_F), lambda b: (b, 0, 0)),
            pl.BlockSpec((BBLK, NPAD), lambda b: (b, 0)),
            pl.BlockSpec((BBLK, MPAD), lambda b: (b, 0)),
        ],
        out_specs=pl.BlockSpec((BBLK, K_PATCH + 1, K_PATCH + 1),
                               lambda b: (b, 0, 0)),
        out_shape=jax.ShapeDtypeStruct((NUM_CORR, K_PATCH + 1, K_PATCH + 1),
                                       jnp.float32),
    )(alpha, rf_pad, sf_pad, rowm, colm)
    return out

# --- scband reference (transcript-rebuilt; emitter-appended) ---
"""Pipeline reference for scband-geo-transformer-global-61649960566971 (READ-ONLY COPY).

The authoritative reference and input builder live on the scoring server;
editing this copy changes nothing except your own understanding.
"""

import jax, jax.numpy as jnp
import numpy as np

N_F = 20000
N_C = 256
D_F = 256
K_PATCH = 64
NUM_CORR = 256
SINK_ITERS = 100
NEG = -1e4


def point_to_node_partition(points_f, points_c, k):
    # squared pairwise distances [N_f, N_c]
    dist2 = ((points_f[:, None, :] - points_c[None, :, :]) ** 2).sum(-1)
    point_to_node = jnp.argmin(dist2, axis=1)
    node_masks = jnp.zeros(points_c.shape[0], dtype=bool).at[point_to_node].set(True)
    # k nearest fine points per superpoint
    _, knn_indices = jax.lax.top_k(-dist2.T, k)  # [N_c, k]
    knn_masks = point_to_node[knn_indices] == jnp.arange(points_c.shape[0])[:, None]
    return point_to_node, node_masks, knn_indices, knn_masks


def log_optimal_transport(scores, row_masks, col_masks, alpha, iters):
    B, n, m = scores.shape
    pad_col = jnp.ones((B, n, 1), scores.dtype) * alpha
    pad_row = jnp.ones((B, 1, m + 1), scores.dtype) * alpha
    Z = jnp.concatenate([jnp.concatenate([scores, pad_col], axis=2), pad_row], axis=1)
    row_m = jnp.concatenate([row_masks, jnp.ones((B, 1), bool)], axis=1)
    col_m = jnp.concatenate([col_masks, jnp.ones((B, 1), bool)], axis=1)
    Z = jnp.where(row_m[:, :, None] & col_m[:, None, :], Z, NEG)
    nr = row_masks.sum(1).astype(jnp.float32)
    nc = col_masks.sum(1).astype(jnp.float32)
    norm = -jnp.log(nr + nc + 1e-12)
    log_mu = jnp.concatenate([jnp.where(row_masks, norm[:, None], NEG), (jnp.log(nc + 1e-12) + norm)[:, None]], axis=1)
    log_nu = jnp.concatenate([jnp.where(col_masks, norm[:, None], NEG), (jnp.log(nr + 1e-12) + norm)[:, None]], axis=1)
    u = jnp.zeros_like(log_mu)
    v = jnp.zeros_like(log_nu)
    for _ in range(iters):
        u = log_mu - jax.scipy.special.logsumexp(Z + v[:, None, :], axis=2)
        v = log_nu - jax.scipy.special.logsumexp(Z + u[:, :, None], axis=1)
    return Z + u[:, :, None] + v[:, None, :]


def setup_inputs(seed: int = 0) -> dict:
    key = jax.random.key(seed)
    ks = [jax.random.fold_in(key, i) for i in range(9)]
    return {
        'ref_points_f': jax.random.normal(ks[0], (N_F, 3), jnp.float32),
        'src_points_f': jax.random.normal(ks[1], (N_F, 3), jnp.float32),
        'ref_feats_f': jax.random.normal(ks[2], (N_F, D_F), jnp.float32),
        'src_feats_f': jax.random.normal(ks[3], (N_F, D_F), jnp.float32),
        'ref_points_c': jax.random.normal(ks[4], (N_C, 3), jnp.float32),
        'src_points_c': jax.random.normal(ks[5], (N_C, 3), jnp.float32),
        'ref_feats_c': jax.random.normal(ks[6], (N_C, D_F), jnp.float32),
        'src_feats_c': jax.random.normal(ks[7], (N_C, D_F), jnp.float32),
        'alpha': jnp.ones((1,), jnp.float32),
    }


def reference(ref_points_f, src_points_f, ref_feats_f, src_feats_f, ref_points_c, src_points_c, ref_feats_c, src_feats_c, alpha):
    a = alpha[0]
    _, ref_node_masks, ref_knn_idx, ref_knn_masks = point_to_node_partition(ref_points_f, ref_points_c, K_PATCH)
    _, src_node_masks, src_knn_idx, src_knn_masks = point_to_node_partition(src_points_f, src_points_c, K_PATCH)
    # coarse feature matching (normalized feats, exp(-dist), dual normalization)
    ref_n = ref_feats_c / (jnp.linalg.norm(ref_feats_c, axis=1, keepdims=True) + 1e-12)
    src_n = src_feats_c / (jnp.linalg.norm(src_feats_c, axis=1, keepdims=True) + 1e-12)
    dist = 2.0 - 2.0 * (ref_n @ src_n.T)
    s = jnp.exp(-dist)
    s = jnp.where(ref_node_masks[:, None] & src_node_masks[None, :], s, 0.0)
    ref_ms = s / (s.sum(1, keepdims=True) + 1e-12)
    src_ms = s / (s.sum(0, keepdims=True) + 1e-12)
    s = ref_ms * src_ms
    corr_scores, corr_idx = jax.lax.top_k(s.reshape(-1), NUM_CORR)
    ref_ci = corr_idx // N_C
    src_ci = corr_idx % N_C
    rknn = ref_knn_idx[ref_ci]
    sknn = src_knn_idx[src_ci]
    rmask = ref_knn_masks[ref_ci]
    smask = src_knn_masks[src_ci]
    ref_pad = jnp.concatenate([ref_feats_f, jnp.zeros_like(ref_feats_f[:1])], 0)
    src_pad = jnp.concatenate([src_feats_f, jnp.zeros_like(src_feats_f[:1])], 0)
    rfeats = ref_pad[rknn]
    sfeats = src_pad[sknn]
    matching_scores = jnp.einsum('bnd,bmd->bnm', rfeats, sfeats) / jnp.sqrt(float(D_F))
    matching_scores = log_optimal_transport(matching_scores, rmask, smask, a, SINK_ITERS)
    return matching_scores

if __name__ == "__main__":
    import jax
    _d = setup_inputs()
    print(jax.jit(kernel)(*tuple(_d.values())))

</pallas_src>

<mosaic_0001>
module attributes {stable_mosaic.version = 14 : i64} {
  func.func @_knn_kernel(%arg0: i32, %arg1: memref<64x3xf32, #tpu.memory_space<vmem>>, %arg2: memref<3x20000xf32, #tpu.memory_space<vmem>>, %arg3: memref<64x64xi32, #tpu.memory_space<vmem>>, %arg4: memref<1x1x20000xf32, #tpu.memory_space<vmem>>, %arg5: memref<1x1x20000xi32, #tpu.memory_space<vmem>>) attributes {dimension_semantics = [#tpu.dimension_semantics<arbitrary>], iteration_bounds = array<i64: 4>, scalar_prefetch = 0 : i64, scratch_operands = 0 : i64, tpu.core_type = #tpu.core_type<tc>, window_params = [{transform_indices = @transform_0, window_bounds = array<i64: 64, 3>}, {pipeline_mode = #tpu.pipeline_mode<synchronous>, transform_indices = @transform_1, window_bounds = array<i64: 3, 20000>}, {transform_indices = @transform_2, window_bounds = array<i64: 64, 64>}, {transform_indices = @transform_3, window_bounds = array<i64: 1, 1, 20000>}, {transform_indices = @transform_4, window_bounds = array<i64: 1, 1, 20000>}]} {
    %get3A = arith.constant 0 : index
    %get3A_0 = arith.constant 0 : index
    %get3A_1 = vector.load %arg1[%get3A, %get3A_0] : memref<64x3xf32, #tpu.memory_space<vmem>>, vector<64x3xf32>
    %slice3A = vector.extract_strided_slice %get3A_1 {offsets = [0, 0], sizes = [64, 1], strides = [1, 1]} : vector<64x3xf32> to vector<64x1xf32>
    %get3A_2 = arith.constant 0 : index
    %get3A_3 = arith.constant 0 : index
    %get3A_4 = vector.load %arg2[%get3A_2, %get3A_3] : memref<3x20000xf32, #tpu.memory_space<vmem>>, vector<1x20000xf32>
    %sub3A = vector.broadcast %slice3A : vector<64x1xf32> to vector<64x20000xf32>
    %sub3A_5 = vector.broadcast %get3A_4 : vector<1x20000xf32> to vector<64x20000xf32>
    %sub3A_6 = arith.subf %sub3A, %sub3A_5 : vector<64x20000xf32>
    %mul3A = arith.mulf %sub3A_6, %sub3A_6 : vector<64x20000xf32>
    %slice3A_7 = vector.extract_strided_slice %get3A_1 {offsets = [0, 1], sizes = [64, 1], strides = [1, 1]} : vector<64x3xf32> to vector<64x1xf32>
    %get3A_8 = arith.constant 1 : index
    %get3A_9 = arith.constant 0 : index
    %get3A_10 = vector.load %arg2[%get3A_8, %get3A_9] : memref<3x20000xf32, #tpu.memory_space<vmem>>, vector<1x20000xf32>
    %sub3A_11 = vector.broadcast %slice3A_7 : vector<64x1xf32> to vector<64x20000xf32>
    %sub3A_12 = vector.broadcast %get3A_10 : vector<1x20000xf32> to vector<64x20000xf32>
    %sub3A_13 = arith.subf %sub3A_11, %sub3A_12 : vector<64x20000xf32>
    %mul3A_14 = arith.mulf %sub3A_13, %sub3A_13 : vector<64x20000xf32>
    %add3A = arith.addf %mul3A, %mul3A_14 : vector<64x20000xf32>
    %slice3A_15 = vector.extract_strided_slice %get3A_1 {offsets = [0, 2], sizes = [64, 1], strides = [1, 1]} : vector<64x3xf32> to vector<64x1xf32>
    %get3A_16 = arith.constant 2 : index
    %get3A_17 = arith.constant 0 : index
    %get3A_18 = vector.load %arg2[%get3A_16, %get3A_17] : memref<3x20000xf32, #tpu.memory_space<vmem>>, vector<1x20000xf32>
    %sub3A_19 = vector.broadcast %slice3A_15 : vector<64x1xf32> to vector<64x20000xf32>
    %sub3A_20 = vector.broadcast %get3A_18 : vector<1x20000xf32> to vector<64x20000xf32>
    %sub3A_21 = arith.subf %sub3A_19, %sub3A_20 : vector<64x20000xf32>
    %mul3A_22 = arith.mulf %sub3A_21, %sub3A_21 : vector<64x20000xf32>
    %add3A_23 = arith.addf %add3A, %mul3A_22 : vector<64x20000xf32>
    %iota3A = tpu.iota {dimensions = array<i32: 0>} : vector<64x20000xi32>
    %mul3A_24 = arith.constant 64 : i32
    %mul3A_25 = arith.muli %arg0, %mul3A_24 : i32
    %add3A_26 = vector.broadcast %mul3A_25 : i32 to vector<64x20000xi32>
    %add3A_27 = arith.addi %iota3A, %add3A_26 : vector<64x20000xi32>
    %reduce_min3A = arith.constant dense<0x7F800000> : vector<20000xf32>
    %reduce_min3A_28 = vector.multi_reduction <minimumf>, %add3A_23, %reduce_min3A [0] : vector<64x20000xf32> to vector<20000xf32>
    %broadcast_in_dim3A = vector.shape_cast %reduce_min3A_28 : vector<20000xf32> to vector<1x20000xf32>
    %eq3A = vector.broadcast %broadcast_in_dim3A : vector<1x20000xf32> to vector<64x20000xf32>
    %eq3A_29 = arith.cmpf oeq, %add3A_23, %eq3A : vector<64x20000xf32>
    %jit3A = arith.constant 1073741824 : i32
    %broadcast_in_dim3A_30 = vector.broadcast %jit3A : i32 to vector<64x20000xi32>
    %select_n3A = arith.select %eq3A_29, %add3A_27, %broadcast_in_dim3A_30 : vector<64x20000xi1>, vector<64x20000xi32>
    %reduce_min3A_31 = arith.constant dense<2147483647> : vector<20000xi32>
    %reduce_min3A_32 = vector.multi_reduction <minsi>, %select_n3A, %reduce_min3A_31 [0] : vector<64x20000xi32> to vector<20000xi32>
    %broadcast_in_dim3A_33 = vector.shape_cast %reduce_min3A_32 : vector<20000xi32> to vector<1x20000xi32>
    %reshape3A = vector.shape_cast %broadcast_in_dim3A : vector<1x20000xf32> to vector<1x1x20000xf32>
    %swap3A = arith.constant 0 : index
    %swap3A_34 = arith.constant 0 : index
    %swap3A_35 = arith.constant 0 : index
    %swap3A_36 = vector.load %arg4[%swap3A, %swap3A_34, %swap3A_35] : memref<1x1x20000xf32, #tpu.memory_space<vmem>>, vector<1x1x20000xf32>
    tpu.vector_store %arg4[%swap3A, %swap3A_34, %swap3A_35], %reshape3A {strides = array<i32>} : memref<1x1x20000xf32, #tpu.memory_space<vmem>>, vector<1x1x20000xf32>,
    %reshape3A_37 = vector.shape_cast %broadcast_in_dim3A_33 : vector<1x20000xi32> to vector<1x1x20000xi32>
    %swap3A_38 = arith.constant 0 : index
    %swap3A_39 = arith.constant 0 : index
    %swap3A_40 = arith.constant 0 : index
    %swap3A_41 = vector.load %arg5[%swap3A_38, %swap3A_39, %swap3A_40] : memref<1x1x20000xi32, #tpu.memory_space<vmem>>, vector<1x1x20000xi32>
    tpu.vector_store %arg5[%swap3A_38, %swap3A_39, %swap3A_40], %reshape3A_37 {strides = array<i32>} : memref<1x1x20000xi32, #tpu.memory_space<vmem>>, vector<1x1x20000xi32>,
    %neg3A = arith.constant 0.000000e+00 : f32
    %neg3A_42 = vector.broadcast %neg3A : f32 to vector<64x20000xf32>
    %neg3A_43 = arith.subf %neg3A_42, %add3A_23 : vector<64x20000xf32>
    %iota3A_44 = tpu.iota {dimensions = array<i32: 1>} : vector<64x20000xi32>
    %iota3A_45 = tpu.iota {dimensions = array<i32: 1>} : vector<64x64xi32>
    %broadcast_in_dim3A_46 = arith.constant 0 : i32
    %broadcast_in_dim3A_47 = vector.broadcast %broadcast_in_dim3A_46 : i32 to vector<64x64xi32>
    %scan3A = arith.constant 0 : i32
    %scan3A_48 = arith.constant 64 : i32
    %scan3A_49 = arith.addi %scan3A, %scan3A_48 : i32
    %scan3A_50 = arith.constant 1 : i32
    %scan3A_51:2 = scf.for %scan3A_56 = %scan3A to %scan3A_49 step %scan3A_50 iter_args(%scan3A_57 = %neg3A_43, %scan3A_58 = %broadcast_in_dim3A_47) -> (vector<64x20000xf32>, vector<64x64xi32>)  : i32 {
      %reduce_max3A = arith.constant dense<0xFF800000> : vector<64xf32>
      %reduce_max3A_59 = vector.multi_reduction <maximumf>, %scan3A_57, %reduce_max3A [1] : vector<64x20000xf32> to vector<64xf32>
      %broadcast_in_dim3A_60 = vector.shape_cast %reduce_max3A_59 : vector<64xf32> to vector<64x1xf32>
      %eq3A_61 = vector.broadcast %broadcast_in_dim3A_60 : vector<64x1xf32> to vector<64x20000xf32>
      %eq3A_62 = arith.cmpf oeq, %scan3A_57, %eq3A_61 : vector<64x20000xf32>
      %jit3A_63 = arith.constant 1073741824 : i32
      %broadcast_in_dim3A_64 = vector.broadcast %jit3A_63 : i32 to vector<64x20000xi32>
      %select_n3A_65 = arith.select %eq3A_62, %iota3A_44, %broadcast_in_dim3A_64 : vector<64x20000xi1>, vector<64x20000xi32>
      %reduce_min3A_66 = arith.constant dense<2147483647> : vector<64xi32>
      %reduce_min3A_67 = vector.multi_reduction <minsi>, %select_n3A_65, %reduce_min3A_66 [1] : vector<64x20000xi32> to vector<64xi32>
      %broadcast_in_dim3A_68 = vector.shape_cast %reduce_min3A_67 : vector<64xi32> to vector<64x1xi32>
      %eq3A_69 = vector.broadcast %scan3A_56 : i32 to vector<64x64xi32>
      %eq3A_70 = arith.cmpi eq, %iota3A_45, %eq3A_69 : vector<64x64xi32>
      %broadcast_in_dim3A_71 = vector.shape_cast %broadcast_in_dim3A_68 : vector<64x1xi32> to vector<64x1xi32>
      %broadcast_in_dim3A_72 = vector.broadcast %broadcast_in_dim3A_71 : vector<64x1xi32> to vector<64x64xi32>
      %select_n3A_73 = arith.select %eq3A_70, %broadcast_in_dim3A_72, %scan3A_58 : vector<64x64xi1>, vector<64x64xi32>
      %eq3A_74 = vector.broadcast %broadcast_in_dim3A_68 : vector<64x1xi32> to vector<64x20000xi32>
      %eq3A_75 = arith.cmpi eq, %iota3A_44, %eq3A_74 : vector<64x20000xi32>
      %jit3A_76 = arith.constant -3.400000e+38 : f32
      %broadcast_in_dim3A_77 = vector.broadcast %jit3A_76 : f32 to vector<64x20000xf32>
      %select_n3A_78 = arith.select %eq3A_75, %broadcast_in_dim3A_77, %scan3A_57 : vector<64x20000xi1>, vector<64x20000xf32>
      scf.yield %select_n3A_78, %select_n3A_73 : vector<64x20000xf32>, vector<64x64xi32>
    }
    %scan3A_52 = arith.constant 64 : i32
    %swap3A_53 = arith.constant 0 : index
    %swap3A_54 = arith.constant 0 : index
    %swap3A_55 = vector.load %arg3[%swap3A_53, %swap3A_54] : memref<64x64xi32, #tpu.memory_space<vmem>>, vector<64x64xi32>
    tpu.vector_store %arg3[%swap3A_53, %swap3A_54], %scan3A_51#1 {strides = array<i32>} : memref<64x64xi32, #tpu.memory_space<vmem>>, vector<64x64xi32>,
    return
  }
  func.func @transform_0(%arg0: i32) -> (i32, i32) {
    %c0_i32 = arith.constant 0 : i32
    %c0_i32_0 = arith.constant 0 : i32
    return %arg0, %c0_i32 : i32, i32
  }
  func.func @transform_1(%arg0: i32) -> (i32, i32) {
    %c0_i32 = arith.constant 0 : i32
    %c0_i32_0 = arith.constant 0 : i32
    %c0_i32_1 = arith.constant 0 : i32
    return %c0_i32, %c0_i32_0 : i32, i32
  }
  func.func @transform_2(%arg0: i32) -> (i32, i32) {
    %c0_i32 = arith.constant 0 : i32
    %c0_i32_0 = arith.constant 0 : i32
    return %arg0, %c0_i32 : i32, i32
  }
  func.func @transform_3(%arg0: i32) -> (i32, i32, i32) {
    %c0_i32 = arith.constant 0 : i32
    %c0_i32_0 = arith.constant 0 : i32
    %c0_i32_1 = arith.constant 0 : i32
    return %arg0, %c0_i32, %c0_i32_0 : i32, i32, i32
  }
  func.func @transform_4(%arg0: i32) -> (i32, i32, i32) {
    %c0_i32 = arith.constant 0 : i32
    %c0_i32_0 = arith.constant 0 : i32
    %c0_i32_1 = arith.constant 0 : i32
    return %arg0, %c0_i32, %c0_i32_0 : i32, i32, i32
  }
}

module attributes {stable_mosaic.version = 14 : i64} {
  func.func @_ot_kernel(%arg0: i32, %arg1: memref<1xf32, #tpu.memory_space<smem>>, %arg2: memref<32x72x256xf32, #tpu.memory_space<vmem>>, %arg3: memref<32x128x256xf32, #tpu.memory_space<vmem>>, %arg4: memref<32x72xf32, #tpu.memory_space<vmem>>, %arg5: memref<32x128xf32, #tpu.memory_space<vmem>>, %arg6: memref<32x65x65xf32, #tpu.memory_space<vmem>>) attributes {dimension_semantics = [#tpu.dimension_semantics<arbitrary>], iteration_bounds = array<i64: 8>, scalar_prefetch = 0 : i64, scratch_operands = 0 : i64, tpu.core_type = #tpu.core_type<tc>, window_params = [{transform_indices = @transform_0, window_bounds = array<i64: 1>}, {transform_indices = @transform_1, window_bounds = array<i64: 32, 72, 256>}, {transform_indices = @transform_2, window_bounds = array<i64: 32, 128, 256>}, {transform_indices = @transform_3, window_bounds = array<i64: 32, 72>}, {transform_indices = @transform_4, window_bounds = array<i64: 32, 128>}, {transform_indices = @transform_5, window_bounds = array<i64: 32, 65, 65>}]} {
    %get3A = arith.constant 0 : index
    %get3A_0 = memref.load %arg1[%get3A] : memref<1xf32, #tpu.memory_space<smem>>
    %get3A_1 = arith.constant 0 : index
    %get3A_2 = arith.constant 0 : index
    %get3A_3 = arith.constant 0 : index
    %get3A_4 = vector.load %arg2[%get3A_1, %get3A_2, %get3A_3] : memref<32x72x256xf32, #tpu.memory_space<vmem>>, vector<32x72x256xf32>
    %get3A_5 = arith.constant 0 : index
    %get3A_6 = arith.constant 0 : index
    %get3A_7 = arith.constant 0 : index
    %get3A_8 = vector.load %arg3[%get3A_5, %get3A_6, %get3A_7] : memref<32x128x256xf32, #tpu.memory_space<vmem>>, vector<32x128x256xf32>
    %dot_general3A = arith.constant dense<0.000000e+00> : vector<32x72x128xf32>
    %dot_general3A_9 = tpu.matmul %get3A_4, %get3A_8, %dot_general3A {dimension_numbers = #tpu.dot_dimension_numbers<[2], [2], [1], [1], [0, 0, 0, 1, 1, 1], [0], [0]>, transpose_lhs_hint = false} : vector<32x72x256xf32>, vector<32x128x256xf32>, vector<32x72x128xf32> -> vector<32x72x128xf32>
    %mul3A = arith.constant 6.250000e-02 : f32
    %mul3A_10 = vector.broadcast %mul3A : f32 to vector<32x72x128xf32>
    %mul3A_11 = arith.mulf %dot_general3A_9, %mul3A_10 : vector<32x72x128xf32>
    %get3A_12 = arith.constant 0 : index
    %get3A_13 = arith.constant 0 : index
    %get3A_14 = vector.load %arg4[%get3A_12, %get3A_13] : memref<32x72xf32, #tpu.memory_space<vmem>>, vector<32x72xf32>
    %broadcast_in_dim3A = vector.shape_cast %get3A_14 : vector<32x72xf32> to vector<32x72x1xf32>
    %get3A_15 = arith.constant 0 : index
    %get3A_16 = arith.constant 0 : index
    %get3A_17 = vector.load %arg5[%get3A_15, %get3A_16] : memref<32x128xf32, #tpu.memory_space<vmem>>, vector<32x128xf32>
    %broadcast_in_dim3A_18 = vector.shape_cast %get3A_17 : vector<32x128xf32> to vector<32x1x128xf32>
    %iota3A = tpu.iota {dimensions = array<i32: 1>} : vector<1x72x1xi32>
    %iota3A_19 = tpu.iota {dimensions = array<i32: 2>} : vector<1x1x128xi32>
    %eq3A = arith.constant 64 : i32
    %eq3A_20 = vector.broadcast %eq3A : i32 to vector<1x72x1xi32>
    %eq3A_21 = arith.cmpi eq, %iota3A, %eq3A_20 : vector<1x72x1xi32>
    %eq3A_22 = arith.constant 64 : i32
    %eq3A_23 = vector.broadcast %eq3A_22 : i32 to vector<1x1x128xi32>
    %eq3A_24 = arith.cmpi eq, %iota3A_19, %eq3A_23 : vector<1x1x128xi32>
    %or3A = vector.broadcast %eq3A_21 : vector<1x72x1xi1> to vector<1x72x128xi1>
    %or3A_25 = vector.broadcast %eq3A_24 : vector<1x1x128xi1> to vector<1x72x128xi1>
    %or3A_26 = arith.ori %or3A, %or3A_25 : vector<1x72x128xi1>
    %gt3A = arith.constant 5.000000e-01 : f32
    %gt3A_27 = vector.broadcast %gt3A : f32 to vector<32x72x1xf32>
    %gt3A_28 = arith.cmpf ogt, %broadcast_in_dim3A, %gt3A_27 : vector<32x72x1xf32>
    %gt3A_29 = arith.constant 5.000000e-01 : f32
    %gt3A_30 = vector.broadcast %gt3A_29 : f32 to vector<32x1x128xf32>
    %gt3A_31 = arith.cmpf ogt, %broadcast_in_dim3A_18, %gt3A_30 : vector<32x1x128xf32>
    %and3A = vector.broadcast %gt3A_28 : vector<32x72x1xi1> to vector<32x72x128xi1>
    %and3A_32 = vector.broadcast %gt3A_31 : vector<32x1x128xi1> to vector<32x72x128xi1>
    %and3A_33 = arith.andi %and3A, %and3A_32 : vector<32x72x128xi1>
    %broadcast_in_dim3A_34 = vector.shape_cast %or3A_26 : vector<1x72x128xi1> to vector<1x72x128xi1>
    %broadcast_in_dim3A_35 = vector.broadcast %broadcast_in_dim3A_34 : vector<1x72x128xi1> to vector<32x72x128xi1>
    %broadcast_in_dim3A_36 = vector.broadcast %get3A_0 : f32 to vector<32x72x128xf32>
    %select_n3A = arith.select %broadcast_in_dim3A_35, %broadcast_in_dim3A_36, %mul3A_11 : vector<32x72x128xi1>, vector<32x72x128xf32>
    %eq3A_37 = vector.broadcast %gt3A_28 : vector<32x72x1xi1> to vector<32x72x128xi1>
    %eq3A_38 = vector.broadcast %gt3A_31 : vector<32x1x128xi1> to vector<32x72x128xi1>
    %eq3A_39 = vector.broadcast %eq3A_37 : vector<32x72x128xi1> to vector<32x72x128xi1>
    %eq3A_40 = vector.broadcast %eq3A_38 : vector<32x72x128xi1> to vector<32x72x128xi1>
    %eq3A_41 = arith.xori %eq3A_39, %eq3A_40 : vector<32x72x128xi1>
    %eq3A_42 = arith.constant dense<true> : vector<32x72x128xi1>
    %eq3A_43 = arith.xori %eq3A_41, %eq3A_42 : vector<32x72x128xi1>
    %jit3A = arith.constant 1.000000e+04 : f32
    %jit3A_44 = arith.constant 0.000000e+00 : f32
    %broadcast_in_dim3A_45 = vector.broadcast %jit3A : f32 to vector<32x72x128xf32>
    %broadcast_in_dim3A_46 = vector.broadcast %jit3A_44 : f32 to vector<32x72x128xf32>
    %select_n3A_47 = arith.select %eq3A_43, %broadcast_in_dim3A_45, %broadcast_in_dim3A_46 : vector<32x72x128xi1>, vector<32x72x128xf32>
    %select_n3A_48 = arith.select %and3A_33, %select_n3A, %select_n3A_47 : vector<32x72x128xi1>, vector<32x72x128xf32>
    %reduce_sum3A = arith.constant dense<0.000000e+00> : vector<32x1xf32>
    %reduce_sum3A_49 = vector.multi_reduction <add>, %broadcast_in_dim3A, %reduce_sum3A [1] : vector<32x72x1xf32> to vector<32x1xf32>
    %broadcast_in_dim3A_50 = vector.shape_cast %reduce_sum3A_49 : vector<32x1xf32> to vector<32x1x1xf32>
    %sub3A = arith.constant 1.000000e+00 : f32
    %sub3A_51 = vector.broadcast %sub3A : f32 to vector<32x1x1xf32>
    %sub3A_52 = arith.subf %broadcast_in_dim3A_50, %sub3A_51 : vector<32x1x1xf32>
    %reduce_sum3A_53 = arith.constant dense<0.000000e+00> : vector<32x1xf32>
    %reduce_sum3A_54 = vector.multi_reduction <add>, %broadcast_in_dim3A_18, %reduce_sum3A_53 [2] : vector<32x1x128xf32> to vector<32x1xf32>
    %broadcast_in_dim3A_55 = vector.shape_cast %reduce_sum3A_54 : vector<32x1xf32> to vector<32x1x1xf32>
    %sub3A_56 = arith.constant 1.000000e+00 : f32
    %sub3A_57 = vector.broadcast %sub3A_56 : f32 to vector<32x1x1xf32>
    %sub3A_58 = arith.subf %broadcast_in_dim3A_55, %sub3A_57 : vector<32x1x1xf32>
    %add3A = arith.addf %sub3A_52, %sub3A_58 : vector<32x1x1xf32>
    %add3A_59 = arith.constant 9.99999996E-13 : f32
    %add3A_60 = vector.broadcast %add3A_59 : f32 to vector<32x1x1xf32>
    %add3A_61 = arith.addf %add3A, %add3A_60 : vector<32x1x1xf32>
    %log3A = math.log %add3A_61 : vector<32x1x1xf32>
    %neg3A = arith.constant 0.000000e+00 : f32
    %neg3A_62 = vector.broadcast %neg3A : f32 to vector<32x1x1xf32>
    %neg3A_63 = arith.subf %neg3A_62, %log3A : vector<32x1x1xf32>
    %eq3A_64 = arith.constant 64 : i32
    %eq3A_65 = vector.broadcast %eq3A_64 : i32 to vector<1x72x1xi32>
    %eq3A_66 = arith.cmpi eq, %iota3A, %eq3A_65 : vector<1x72x1xi32>
    %add3A_67 = arith.constant 9.99999996E-13 : f32
    %add3A_68 = vector.broadcast %add3A_67 : f32 to vector<32x1x1xf32>
    %add3A_69 = arith.addf %sub3A_58, %add3A_68 : vector<32x1x1xf32>
    %log3A_70 = math.log %add3A_69 : vector<32x1x1xf32>
    %add3A_71 = arith.addf %log3A_70, %neg3A_63 : vector<32x1x1xf32>
    %gt3A_72 = arith.constant 5.000000e-01 : f32
    %gt3A_73 = vector.broadcast %gt3A_72 : f32 to vector<32x72x1xf32>
    %gt3A_74 = arith.cmpf ogt, %broadcast_in_dim3A, %gt3A_73 : vector<32x72x1xf32>
    %jit3A_75 = arith.constant -1.000000e+04 : f32
    %broadcast_in_dim3A_76 = vector.shape_cast %neg3A_63 : vector<32x1x1xf32> to vector<32x1x1xf32>
    %broadcast_in_dim3A_77 = vector.broadcast %broadcast_in_dim3A_76 : vector<32x1x1xf32> to vector<32x72x1xf32>
    %broadcast_in_dim3A_78 = vector.broadcast %jit3A_75 : f32 to vector<32x72x1xf32>
    %select_n3A_79 = arith.select %gt3A_74, %broadcast_in_dim3A_77, %broadcast_in_dim3A_78 : vector<32x72x1xi1>, vector<32x72x1xf32>
    %broadcast_in_dim3A_80 = vector.shape_cast %eq3A_66 : vector<1x72x1xi1> to vector<1x72x1xi1>
    %broadcast_in_dim3A_81 = vector.broadcast %broadcast_in_dim3A_80 : vector<1x72x1xi1> to vector<32x72x1xi1>
    %broadcast_in_dim3A_82 = vector.shape_cast %add3A_71 : vector<32x1x1xf32> to vector<32x1x1xf32>
    %broadcast_in_dim3A_83 = vector.broadcast %broadcast_in_dim3A_82 : vector<32x1x1xf32> to vector<32x72x1xf32>
    %select_n3A_84 = arith.select %broadcast_in_dim3A_81, %broadcast_in_dim3A_83, %select_n3A_79 : vector<32x72x1xi1>, vector<32x72x1xf32>
    %eq3A_85 = arith.constant 64 : i32
    %eq3A_86 = vector.broadcast %eq3A_85 : i32 to vector<1x1x128xi32>
    %eq3A_87 = arith.cmpi eq, %iota3A_19, %eq3A_86 : vector<1x1x128xi32>
    %add3A_88 = arith.constant 9.99999996E-13 : f32
    %add3A_89 = vector.broadcast %add3A_88 : f32 to vector<32x1x1xf32>
    %add3A_90 = arith.addf %sub3A_52, %add3A_89 : vector<32x1x1xf32>
    %log3A_91 = math.log %add3A_90 : vector<32x1x1xf32>
    %add3A_92 = arith.addf %log3A_91, %neg3A_63 : vector<32x1x1xf32>
    %gt3A_93 = arith.constant 5.000000e-01 : f32
    %gt3A_94 = vector.broadcast %gt3A_93 : f32 to vector<32x1x128xf32>
    %gt3A_95 = arith.cmpf ogt, %broadcast_in_dim3A_18, %gt3A_94 : vector<32x1x128xf32>
    %jit3A_96 = arith.constant -1.000000e+04 : f32
    %broadcast_in_dim3A_97 = vector.shape_cast %neg3A_63 : vector<32x1x1xf32> to vector<32x1x1xf32>
    %broadcast_in_dim3A_98 = vector.broadcast %broadcast_in_dim3A_97 : vector<32x1x1xf32> to vector<32x1x128xf32>
    %broadcast_in_dim3A_99 = vector.broadcast %jit3A_96 : f32 to vector<32x1x128xf32>
    %select_n3A_100 = arith.select %gt3A_95, %broadcast_in_dim3A_98, %broadcast_in_dim3A_99 : vector<32x1x128xi1>, vector<32x1x128xf32>
    %broadcast_in_dim3A_101 = vector.shape_cast %eq3A_87 : vector<1x1x128xi1> to vector<1x1x128xi1>
    %broadcast_in_dim3A_102 = vector.broadcast %broadcast_in_dim3A_101 : vector<1x1x128xi1> to vector<32x1x128xi1>
    %broadcast_in_dim3A_103 = vector.shape_cast %add3A_92 : vector<32x1x1xf32> to vector<32x1x1xf32>
    %broadcast_in_dim3A_104 = vector.broadcast %broadcast_in_dim3A_103 : vector<32x1x1xf32> to vector<32x1x128xf32>
    %select_n3A_105 = arith.select %broadcast_in_dim3A_102, %broadcast_in_dim3A_104, %select_n3A_100 : vector<32x1x128xi1>, vector<32x1x128xf32>
    %broadcast_in_dim3A_106 = arith.constant 0.000000e+00 : f32
    %broadcast_in_dim3A_107 = vector.broadcast %broadcast_in_dim3A_106 : f32 to vector<32x72x1xf32>
    %jit3A_108 = arith.constant 0.000000e+00 : f32
    %jit3A_109 = arith.constant -1.000000e+04 : f32
    %broadcast_in_dim3A_110 = vector.broadcast %jit3A_108 : f32 to vector<32x1x128xf32>
    %broadcast_in_dim3A_111 = vector.broadcast %jit3A_109 : f32 to vector<32x1x128xf32>
    %select_n3A_112 = arith.select %gt3A_31, %broadcast_in_dim3A_110, %broadcast_in_dim3A_111 : vector<32x1x128xi1>, vector<32x1x128xf32>
    %broadcast_in_dim3A_113 = arith.constant 0.000000e+00 : f32
    %broadcast_in_dim3A_114 = vector.broadcast %broadcast_in_dim3A_113 : f32 to vector<32x1x128xf32>
    %add3A_115 = arith.addf %select_n3A_112, %broadcast_in_dim3A_114 : vector<32x1x128xf32>
    %scan3A = arith.constant 0 : i32
    %scan3A_116 = arith.constant 100 : i32
    %scan3A_117 = arith.addi %scan3A, %scan3A_116 : i32
    %scan3A_118 = arith.constant 1 : i32
    %scan3A_119:2 = scf.for %scan3A_127 = %scan3A to %scan3A_117 step %scan3A_118 iter_args(%scan3A_128 = %broadcast_in_dim3A_107, %scan3A_129 = %add3A_115) -> (vector<32x72x1xf32>, vector<32x1x128xf32>)  : i32 {
      %add3A_130 = vector.broadcast %scan3A_129 : vector<32x1x128xf32> to vector<32x72x128xf32>
      %add3A_131 = arith.addf %select_n3A_48, %add3A_130 : vector<32x72x128xf32>
      %exp3A = math.exp %add3A_131 : vector<32x72x128xf32>
      %reduce_sum3A_132 = arith.constant dense<0.000000e+00> : vector<32x72xf32>
      %reduce_sum3A_133 = vector.multi_reduction <add>, %exp3A, %reduce_sum3A_132 [2] : vector<32x72x128xf32> to vector<32x72xf32>
      %broadcast_in_dim3A_134 = vector.shape_cast %reduce_sum3A_133 : vector<32x72xf32> to vector<32x72x1xf32>
      %max3A = arith.constant 1.000000e-30 : f32
      %max3A_135 = vector.broadcast %max3A : f32 to vector<32x72x1xf32>
      %max3A_136 = arith.maximumf %broadcast_in_dim3A_134, %max3A_135 : vector<32x72x1xf32>
      %log3A_137 = math.log %max3A_136 : vector<32x72x1xf32>
      %sub3A_138 = arith.subf %select_n3A_84, %log3A_137 : vector<32x72x1xf32>
      %add3A_139 = vector.broadcast %sub3A_138 : vector<32x72x1xf32> to vector<32x72x128xf32>
      %add3A_140 = arith.addf %select_n3A_48, %add3A_139 : vector<32x72x128xf32>
      %exp3A_141 = math.exp %add3A_140 : vector<32x72x128xf32>
      %reduce_sum3A_142 = arith.constant dense<0.000000e+00> : vector<32x128xf32>
      %reduce_sum3A_143 = vector.multi_reduction <add>, %exp3A_141, %reduce_sum3A_142 [1] : vector<32x72x128xf32> to vector<32x128xf32>
      %broadcast_in_dim3A_144 = vector.shape_cast %reduce_sum3A_143 : vector<32x128xf32> to vector<32x1x128xf32>
      %max3A_145 = arith.constant 1.000000e-30 : f32
      %max3A_146 = vector.broadcast %max3A_145 : f32 to vector<32x1x128xf32>
      %max3A_147 = arith.maximumf %broadcast_in_dim3A_144, %max3A_146 : vector<32x1x128xf32>
      %log3A_148 = math.log %max3A_147 : vector<32x1x128xf32>
      %sub3A_149 = arith.subf %select_n3A_105, %log3A_148 : vector<32x1x128xf32>
      scf.yield %sub3A_138, %sub3A_149 : vector<32x72x1xf32>, vector<32x1x128xf32>
    }
    %add3A_120 = vector.broadcast %scan3A_119#0 : vector<32x72x1xf32> to vector<32x72x128xf32>
    %add3A_121 = arith.addf %select_n3A_48, %add3A_120 : vector<32x72x128xf32>
    %add3A_122 = vector.broadcast %scan3A_119#1 : vector<32x1x128xf32> to vector<32x72x128xf32>
    %add3A_123 = arith.addf %add3A_121, %add3A_122 : vector<32x72x128xf32>
    %slice3A = vector.extract_strided_slice %add3A_123 {offsets = [0, 0, 0], sizes = [32, 65, 65], strides = [1, 1, 1]} : vector<32x72x128xf32> to vector<32x65x65xf32>
    %swap3A = arith.constant 0 : index
    %swap3A_124 = arith.constant 0 : index
    %swap3A_125 = arith.constant 0 : index
    %swap3A_126 = vector.load %arg6[%swap3A, %swap3A_124, %swap3A_125] : memref<32x65x65xf32, #tpu.memory_space<vmem>>, vector<32x65x65xf32>
    tpu.vector_store %arg6[%swap3A, %swap3A_124, %swap3A_125], %slice3A {strides = array<i32>} : memref<32x65x65xf32, #tpu.memory_space<vmem>>, vector<32x65x65xf32>,
    return
  }
  func.func @transform_0(%arg0: i32) -> i32 {
    %c0_i32 = arith.constant 0 : i32
    %c0_i32_0 = arith.constant 0 : i32
    return %c0_i32 : i32
  }
  func.func @transform_1(%arg0: i32) -> (i32, i32, i32) {
    %c0_i32 = arith.constant 0 : i32
    %c0_i32_0 = arith.constant 0 : i32
    %c0_i32_1 = arith.constant 0 : i32
    return %arg0, %c0_i32, %c0_i32_0 : i32, i32, i32
  }
  func.func @transform_2(%arg0: i32) -> (i32, i32, i32) {
    %c0_i32 = arith.constant 0 : i32
    %c0_i32_0 = arith.constant 0 : i32
    %c0_i32_1 = arith.constant 0 : i32
    return %arg0, %c0_i32, %c0_i32_0 : i32, i32, i32
  }
  func.func @transform_3(%arg0: i32) -> (i32, i32) {
    %c0_i32 = arith.constant 0 : i32
    %c0_i32_0 = arith.constant 0 : i32
    return %arg0, %c0_i32 : i32, i32
  }
  func.func @transform_4(%arg0: i32) -> (i32, i32) {
    %c0_i32 = arith.constant 0 : i32
    %c0_i32_0 = arith.constant 0 : i32
    return %arg0, %c0_i32 : i32, i32
  }
  func.func @transform_5(%arg0: i32) -> (i32, i32, i32) {
    %c0_i32 = arith.constant 0 : i32
    %c0_i32_0 = arith.constant 0 : i32
    %c0_i32_1 = arith.constant 0 : i32
    return %arg0, %c0_i32, %c0_i32_0 : i32, i32, i32
  }
}

</mosaic_0001>

<sc_bundles>
// kernel: gather_offload_async_start.1
scs
__scs_entry_jumppad:
0x0: {  	(pc) =	sbr.rel $0x88, $3  }
0x1: {  	(tag) =	ssettag $0x0;
	lr =	simm.s32 $0x1  }
0x2: {  	[smem:$0x3F98] =	sst lr;
	_ =	strace $0xD0000000  }
0x3: {  	_ = 	snop  }
0x4: {  	_ = 	snop  }
0x5: {  	_ = 	snop  }
0x6: {  	_ = 	snop  }
0x7: {  	_ = 	snop  }
__scs_overlays_trampoline_lowered:
0x8: {  	[smem:$0x3FA7] =	sst s0  }
0x9: {  	[smem:$0x3FA8] =	sst s1  }
0xa: {  	[smem:$0x3FA9] =	sst s2  }
0xb: {  	[smem:$0x3FAA] =	sst s3  }
0xc: {  	[smem:$0x3FAB] =	sst s4  }
0xd: {  	[smem:$0x3FAC] =	sst s5  }
0xe: {  	[smem:$0x3FAD] =	sst s6  }
0xf: {  	[smem:$0x3FAE] =	sst s7  }
0x10: {  	[smem:$0x3FAF] =	sst s8  }
0x11: {  	[smem:$0x3FB0] =	sst s9;
	s0 =	simm.s32 @!p0 $0x0  }
0x12: {  	s1 =	sld [smem:$0x3F96];
	s0 =	simm.s32 @p0 $0x1  }
0x13: {  	[smem:$0x3FB1] =	sst s0;
	s0 =	simm.s32 @!p1 $0x0  }
0x14: {  	s2 =	sld [smem:$0x3F95];
	s0 =	simm.s32 @p1 $0x1  }
0x15: {  	[smem:$0x3FB2] =	sst s0;
	s0 =	simm.s32 @!p2 $0x0  }
0x16: {  	s3 =	sld [smem:$0x3FDB];
	s0 =	simm.s32 @p2 $0x1  }
0x17: {  	s4 =	simm.s32 $0x1BF5;
	[smem:$0x3FB4] =	sst s0  }
0x18: {  	s0 =	sld [smem:$0x3F97];
	_ =	swait.ge [sflag:s4], $0x0  }
0x19: {  	s7 =	sld [smem:$0x3F98]  }
0x1a: {  	s8 =	sadd.s32 $0xFFFFE003, lr  }
0x1b: {  	s9 =	sadd.s32 $0xFFFFFEF7, lr;
	s5 =	simm.s32 $0xFFFFFFFF;
	p2 =	slt.u32 s8, $0xFFFFF086  }
0x1c: {  	p1 =	slt.u32 s9, $0xF7A;
	s5 =	simm.s32 @!p2 $0x0  }
0x1d: {  	s5 =	simm.s32 @p1 $0x1;
	p0 =	seq.s32 s7, s2  }
0x1e: {  	s7 =	smul.u32 @!p0 $0xF7A, s2;
	p2 =	seq.s32 @!p0 s5, $0x0  }
0x1f: {  	s9 =	smul.u32 $0xF7A, s1;
	s8 =	simm.s32 @!p0 $0x1BF5;
	p2 =	por !p2, p0  }
0x20: {  	[sflag:s8] =	ssyncset.s32 @!p0 $0xFFFFF086;
	s6 =	sadd.s32 @!p0 s3, s7;
	s7 =	simm.s32 @!p0 $0x108  }
0x21: {  	s3 =	sadd.s32 s3, s9;
	s6 =	sadd.s32 @!p0 $0x88, s6;
	s7 =	simm.s32 @p2 $0x1082  }
0x22: {  	[simem:s7], [sflag:s8] =	dma.local @!p0 [hbm:s6], $0xF7A  }
0x23: {  	s9 =	sor.u32 $0xD0000000, s2;
	s6 =	simm.s32 $0x108;
	_ =	swait.ge @!p0 [sflag:s8], $0x0  }
0x24: {  	s3 =	sadd.s32 $0x88, s3;
	s6 =	simm.s32 @!p1 $0x1082;
	[sflag:s4] =	ssyncset.s32 $0xFFFFF086  }
0x25: {  	[simem:s6], [sflag:s4] =	dma.local [hbm:s3], $0xF7A  }
0x26: {  	[smem:$0x3F98] =	sst s1;
	(tag) =	ssettag s2;
	_ =	strace s9  }
0x27: {  	s1 =	sld [smem:$0x3FA8]  }
0x28: {  	s2 =	sld [smem:$0x3FA9]  }
0x29: {  	s4 =	sld [smem:$0x3FAB]  }
0x2a: {  	p0 =	seq.s32 s5, $0x0;
	s5 =	sld [smem:$0x3FAC]  }
0x2b: {  	s6 =	sld [smem:$0x3FAD]  }
0x2c: {  	s7 =	sld [smem:$0x3FAE]  }
0x2d: {  	s3 =	simm.s32 $0x108;
	s8 =	sld [smem:$0x3FAF]  }
0x2e: {  	s3 =	simm.s32 @!p0 $0x1082;
	s9 =	sld [smem:$0x3FB0]  }
0x2f: {  	lr =	sadd.s32 s0, s3;
	s0 =	sld [smem:$0x3FA7]  }
0x30: {  	s3 =	sld [smem:$0x3FAA]  }
0x31: {  	[smem:$0x3FB3] =	sst s10  }
0x32: {  	s10 =	sld [smem:$0x3FB1];
	_ =	sdelay $0x3  }
0x33: {  	p0 =	seq.s32 s10, $0x1;
	s10 =	sld [smem:$0x3FB3];
	_ =	sdelay $0x3  }
0x34: {  	[smem:$0x3FB3] =	sst s10  }
0x35: {  	s10 =	sld [smem:$0x3FB2];
	_ =	sdelay $0x3  }
0x36: {  	p1 =	seq.s32 s10, $0x1;
	s10 =	sld [smem:$0x3FB3];
	_ =	sdelay $0x3  }
0x37: {  	[smem:$0x3FB3] =	sst s10  }
0x38: {  	s10 =	sld [smem:$0x3FB4]  }
0x39: {  	_ = 	snop;
	(pc) =	sbr.ind lr, $3  }
0x3a: {  	_ = 	snop  }
0x3b: {  	_ = 	snop  }
0x3c: {  	p2 =	seq.s32 s10, $0x1;
	s10 =	sld [smem:$0x3FB3]  }
0x3d: {  	_ =	shalt  }
0x3e: {  	_ =	shalt  }
0x3f: {  	_ =	shalt  }
0x40: {  	_ =	shalt  }
0x41: {  	_ =	shalt  }
0x42: {  	_ =	shalt  }
0x43: {  	_ =	shalt  }
0x44: {  	_ =	shalt  }
0x45: {  	_ =	shalt  }
0x46: {  	_ =	shalt  }
0x47: {  	_ =	shalt  }
0x48: {  	_ =	shalt  }
0x49: {  	_ =	shalt  }
0x4a: {  	_ =	shalt  }
0x4b: {  	_ =	shalt  }
0x4c: {  	_ =	shalt  }
0x4d: {  	_ =	shalt  }
0x4e: {  	_ =	shalt  }
0x4f: {  	_ =	shalt  }
0x50: {  	_ =	shalt  }
0x51: {  	_ =	shalt  }
0x52: {  	_ =	shalt  }
0x53: {  	_ =	shalt  }
0x54: {  	_ =	shalt  }
0x55: {  	_ =	shalt  }
0x56: {  	_ =	shalt  }
0x57: {  	_ =	shalt  }
0x58: {  	_ =	shalt  }
0x59: {  	_ =	shalt  }
0x5a: {  	_ =	shalt  }
0x5b: {  	_ =	shalt  }
0x5c: {  	_ =	shalt  }
0x5d: {  	_ =	shalt  }
0x5e: {  	_ =	shalt  }
0x5f: {  	_ =	shalt  }
0x60: {  	_ =	shalt  }
0x61: {  	_ =	shalt  }
0x62: {  	_ =	shalt  }
0x63: {  	_ =	shalt  }
0x64: {  	_ =	shalt  }
0x65: {  	_ =	shalt  }
0x66: {  	_ =	shalt  }
0x67: {  	_ =	shalt  }
0x68: {  	_ =	shalt  }
0x69: {  	_ =	shalt  }
0x6a: {  	_ =	shalt  }
0x6b: {  	_ =	shalt  }
0x6c: {  	_ =	shalt  }
0x6d: {  	_ =	shalt  }
0x6e: {  	_ =	shalt  }
0x6f: {  	_ =	shalt  }
0x70: {  	_ =	shalt  }
0x71: {  	_ =	shalt  }
0x72: {  	_ =	shalt  }
0x73: {  	_ =	shalt  }
0x74: {  	_ =	shalt  }
0x75: {  	_ =	shalt  }
0x76: {  	_ =	shalt  }
0x77: {  	_ =	shalt  }
0x78: {  	_ =	shalt  }
0x79: {  	_ =	shalt  }
0x7a: {  	_ =	shalt  }
0x7b: {  	_ =	shalt  }
0x7c: {  	_ =	shalt  }
0x7d: {  	_ =	shalt  }
0x7e: {  	_ =	shalt  }
0x7f: {  	_ =	shalt  }
0x80: {  	_ =	shalt  }
0x81: {  	_ =	shalt  }
0x82: {  	_ =	shalt  }
0x83: {  	_ =	shalt  }
0x84: {  	_ =	shalt  }
0x85: {  	_ =	shalt  }
0x86: {  	_ =	shalt  }
0x87: {  	_ =	shalt  }
.Lfunc_end0:
.L_simem_size_0:
called_computation.1_lowered:
.L_overlay_start_0:
0x88: {  	s2 =	sld [smem:$0x3FD9]  }
0x89: {  	s3 =	sld [smem:$0x3FFE];
	_ =	sdelay $0x1  }
0x8a: {  	s1 =	srdreg.scid  }
0x8b: {  	s0 =	sand.u32 $0x1, s1  }
0x8c: {  	s16 =	sshll.u32 s0, $0xA;
	s2 =	sadd.s32 s3, s2  }
0x8d: {  	s2 =	sadd.s32 s2, s16  }
0x8e: {  	[smem:$0x3FBF] =	sst s2  }
0x8f: {  	_ = 	snop  }
0x90: {  	(tm) =	ssettm $0x1  }
0x91: {  	s17 =	sld [smem:$0x3FFB];
	_ =	sdelay $0x3  }
0x92: {  	_ =	strace s17  }
0x93: {  	s2 =	sld [smem:$0x3FFC];
	_ =	sdelay $0x3  }
0x94: {  	_ =	strace s2  }
0x95: {  	s2 =	sld [smem:$0x3FFD];
	_ =	sdelay $0x3  }
0x96: {  	_ =	strace s2  }
0x97: {  	_ =	strace $0x8FFFFFFF  }
0x98: {  	s18 =	sld [smem:$0x3FDB];
	_ =	sdelay $0x1  }
0x99: {  	s19 =	simm.s32 $_scs_section_size  }
0x9a: {  	s4 =	simm.s32 $_size__tile_overlayer_lowered;
	s5 =	simm.s32 $_tile_overlayer_lowered  }
0x9b: {  	s22 =	simm.s32 $0x1BFF;
	s21 =	sshll.u32 s5, $0x1;
	s2 =	sadd.s32 s19, s18  }
0x9c: {  	s6 =	simm.s32 $0x0;
	s20 =	sshll.u32 s4, $0x1;
	s4 =	sadd.s32 s21, s2  }
0x9d: {  	[timem:s6], [sflag:s22] =	dma.local [hbm:s4], s20  }
0x9e: {  	_ =	swait.ge [sflag:s22], s20  }
0x9f: {  	s3 =	ssub.s32 $0x0, s20;
	[sflag:s22] =	ssyncset.done $0x0  }
0xa0: {  	[sflag:s22] =	ssyncadd.s32 s3;
	_ =	sdelay $0x1  }
0xa1: {  	s23 =	simm.s32 $0x1B8B  }
0xa2: {  	_ =	swait.ge [sflag:s23], $0x1  }
0xa3: {  	[sflag:s23] =	ssyncset.done $0x0  }
0xa4: {  	s25 =	simm.s32 $0x1B8E;
	s24 =	sld [smem:$0x3FFE];
	[sflag:s23] =	ssyncadd.s32 $0xFFFFFFFF  }
0xa5: {  	s26 =	simm.s32 $execute0_lowered;
	[smem:$0x3FD2] =	sst s25  }
0xa6: {  	s4 =	sshll.u32 s26, $0x1;
	_ =	strace $0x8000004C;
	[dreg:$0x1] =	wrdreg $0xFFFFFFFF  }
0xa7: {  	s28 =	simm.s32 $_size_execute0_lowered;
	s2 =	sadd.s32 s2, s4;
	[dreg:$0x0] =	wrdreg $0x0  }
0xa8: {  	s4 =	sshll.u32 s28, $0x1;
	[dreg:$0x2] =	wrdreg s2  }
0xa9: {  	[dreg:$0x3] =	wrdreg s4  }
0xaa: {  	[dreg:$0x4] =	wrdreg $0xC0  }
0xab: {  	_ =	task [dreg:s6], $0x5FFFF  }
0xac: {  	[dreg:$0x1] =	wrdreg $0xFFFFFFFF  }
0xad: {  	[dreg:$0x0] =	wrdreg $0x60  }
0xae: {  	[dreg:$0x2] =	wrdreg s24  }
0xaf: {  	[dreg:$0x3] =	wrdreg $0xA  }
0xb0: {  	_ =	task.clear_ibuf [dreg:s6], $0x4FFFF;
	_ =	strace $0x9000004C  }
0xb1: {  	s29 =	simm.s32 $0xA;
	_ =	strace $0x8000004E  }
0xb2: {  	_ =	swait.ge [sflag:s29], $0x1  }
0xb3: {  	[sflag:s29] =	ssyncadd.s32 $0xFFFFFFFF  }
0xb4: {  	_ =	strace $0x9000004E  }
0xb5: {  	_ =	sfence  }
0xb6: {  	s30 =	sld [smem:$0x0];
	_ =	sdelay $0x2  }
0xb7: {  	s31 =	sshll.u32 s1, $0xD;
	s1 =	sshrl.u32 s1, $0x2  }
0xb8: {  	s3 =	sand.u32 $0x4000, s31;
	s1 =	sadd.s32 s1, s30  }
0xb9: {  	s0 =	sor.u32 s3, s0;
	s1 =	sshll.u32 s1, $0x11  }
0xba: {  	s0 =	sor.u32 s1, s0  }
0xbb: {  	s0 =	sadd.s32 $0x8F2B, s0  }
0xbc: {  	[sflag:s0] =	ssyncadd.remote.s32 $0x1  }
0xbd: {  	_ =	sfence.sel $0xFFFF  }
0xbe: {  	[dreg:$0x0] =	wrdreg $0xFFFFFFFF;
	(pc) =	sbr.abs _section_cstart, $3  }
0xbf: {  	[dreg:$0x1] =	wrdreg $0xFFFFFFFF  }
0xc0: {  	_ =	task.clear_ibuf [dreg:s6], $0x2FFFF;
	_ =	strace $0x9FFFFFFF  }
0xc1: {  	(tm) =	ssettm $0x7FFFFFFF  }
tec
execute0_lowered:
.L_overlay_start_1:
0x0: {  	(tag) =	ssettag $0x1  }
0x1: {  	s0 =	srdreg.scid;
	s5 =	rddreg [dreg:$0x0]  }
0x2: {  	s1 =	stileid.u32;
	s6 =	simm.s32 $0x1;
	s9 =	simm.s32 $0x1  }
0x3: {  	s10 =	simm.s32 $0x3;
	s13 =	simm.s32 $0x0;
	s2 =	sshll.u32 s0, $0x8  }
0x4: {  	s12 =	simm.s32 $0x0;
	s3 =	sshll.u32 s1, $0x9;
	s2 =	sand.u32 $0x100, s2  }
0x5: {  	s0 =	rddreg [dreg:$0x1];
	_ =	strace $0x8000004D;
	s2 =	sor.u32 s3, s2  }
0x6: {  	s4 =	sadd.s32 $0x1A00, s5;
	[sflag:s6] =	ssyncpa.u1 $0x0;
	s8 =	ssub.s32 $0x4000, s2  }
.Ltmp0:
0x7: {  	s3 =	sadd.s32 $0x1000, s5;
	s7 =	sand.u32 $0x1F00, s8;
	(pc) =	sbr.rel .LBB2_1-.Ltmp0, $4  }
0x8: {  	s5 =	sadd.s32 $0x2400, s5;
	s11 =	smov.u32 s2;
	p0 =	sne.s32 s7, $0x0  }
0x9: {  	s8 =	sshrl.u32 s8, $0xD;
	s7 =	simm.s32 $0x2;
	s9 =	simm.s32 @!p0 $0x0  }
0xa: {  	[sflag:s7] =	ssyncpa.u1 $0x0;
	p0 =	por $0x0, $0x0;
	s8 =	sadd.s32 s9, s8  }
0xb: {  	vm0 =	vmmov $0xffff;
	[sflag:s10] =	ssyncpa.u1 $0x0;
	s10 =	simm.s32 $0x0;
	s9 =	sadd.s32 $0x1, s8  }
.LBB2_4:
0xc: {  	v2 =	vnsel vm1, $0x0, v2  }
0xd: {  	vm1 =	vgt.s32 v0, $0x0;
	v2 =	vmin.u32 v2, $0x4E1F  }
0xe: {  	v0 =	vnsel vm1, $0x0, v0  }
0xf: {  	v0 =	vmin.u32 v0, $0x4E1F  }
0x10: {  	[tilespmem:s15], [sflag:$0x1] =	stream.indirect_vreg.gather [hbm4b:s3+s10], $0x1, v1, vm0, $0x4038;
	[tilespmem:$0x400] =	vst v63  }
0x11: {  	(ifvalue) =	ssetifvalue $0x7FFFFFFF  }
0x12: {  	[tilespmem:s16], [sflag:$0x1] =	stream.indirect_vreg.gather [hbm4b:s3+s10], $0x1, v2, vm0, $0x4038;
	[tilespmem:$0x400] =	vst v63  }
0x13: {  	s29 =	sadd.s32 $0x10, s16;
	(ifvalue) =	ssetifvalue $0x7FFFFFFF  }
0x14: {  	[tilespmem:s29], [sflag:$0x1] =	stream.indirect_vreg.gather [hbm4b:s3+s10], $0x1, v0, vm0, $0x4038;
	[tilespmem:$0x400] =	vst v63  }
0x15: {  	_ =	swait.ge [sflag:s6], $0x100  }
0x16: {  	s30 =	sshrl.u32 s13, $0x3;
	[sflag:s6] =	ssyncset.done $0x0  }
0x17: {  	s31 =	sand.u32 $0x7, s13;
	s15 =	sadd.s32 s5, s30;
	[sflag:s6] =	ssyncadd.s32 $0xFFFFFF00  }
0x18: {  	[hbm4b:s15+s31] =	stream.linear.scatter [tilespmem:s14], [sflag:$0x3], $0x100, $0x38;
	[tilespmem:$0x400] =	vst v63  }
.LBB2_5:
0x19: {  	s15 =	sadd.s32 $0x2000, s11  }
0x1a: {  	p2 =	sgt.s32 s15, $0x3FFF  }
0x1b: {  	s15 =	smov.u32 @p2 s2;
	p2 =	sne.s32 s12, s9  }
.Ltmp1:
0x1c: {  	p1 =	slt.u32 s12, $0x2;
	(pc) =	sbr.rel @!p2 .LBB2_6-.Ltmp1, $4  }
0x1d: {  	s14 =	simm.s32 @!p1 $0x3  }
0x1e: {  	s16 =	sadd.s32 $0x1, s12;
	_ =	swait.ge @!p1 [sflag:s14], $0x100  }
0x1f: {  	s13 =	smov.u32 s11;
	p0 =	por !p0, !p0;
	[sflag:s14] =	ssyncset.done @!p1 $0x0  }
0x20: {  	s12 =	smov.u32 s16;
	s11 =	smov.u32 s15;
	[sflag:s14] =	ssyncadd.s32 @!p1 $0xFFFFFF00  }
.LBB2_1:
0x21: {  	p1 =	sge.u32 s12, s8  }
0x22: {  	s14 =	sxor.u32 @!p1 $0xFFFFFFFF, s12  }
0x23: {  	s31 =	sadd.s32 $0xFFFFFFFF, s12;
	s15 =	sshrl.u32 @!p1 s11, $0x3;
	s14 =	sshll.u32 @!p1 s14, $0x8  }
0x24: {  	s16 =	sand.u32 @!p1 $0x7, s11;
	s15 =	sadd.s32 @!p1 s4, s15;
	s14 =	sand.u32 @!p1 $0x100, s14  }
0x25: {  	[tilespmem:s14], [sflag:$0x2] =	stream.linear.gather @!p1 [hbm4b:s15+s16], $0x100, $0x38;
	[tilespmem:$0x400] =	vst v63  }
0x26: {  	p1 =	sge.u32 s31, s8  }
.Ltmp2:
0x27: {  	_ = 	snop;
	(pc) =	sbr.rel @p1 .LBB2_5-.Ltmp2, $1  }
0x28: {  	_ =	sdelay $0x3  }
0x29: {  	s14 =	simm.s32 $0x1  }
0x2a: {  	_ =	swait.ge [sflag:s7], $0x100;
	s14 =	simm.s32 @!p0 $0x0  }
0x2b: {  	[sflag:s7] =	ssyncset.done $0x0;
	s14 =	sshll.u32 s14, $0x8  }
0x2c: {  	[sflag:s7] =	ssyncadd.s32 $0xFFFFFF00;
	(ifvalue) =	ssetifvalue $0x7FFFFFFF;
	v0 =	vld.msk [tilespmem:s14+$0x0 ss:$0x1], $0xffff;
	_ =	sdelay $0x4  }
0x2d: {  	s15 =	sadd.s32 $0x10, s14;
	vm1 =	vgt.s32 v0, $0x0  }
0x2e: {  	v2 =	vld.msk [tilespmem:s15+$0x0 ss:$0x1], $0xffff;
	v1 =	vnsel vm1, $0x0, v0  }
0x2f: {  	v1 =	vmin.u32 v1, $0x4E1F;
	_ =	sdelay $0x1  }
0x30: {  	s16 =	sshll.u32 s12, $0x8;
	s18 =	simm.s32 $0x20  }
0x31: {  	s16 =	sand.u32 $0x100, s16;
	s17 =	sadd.s32 $0x10, s15;
	s15 =	sor.u32 $0x200, s14  }
0x32: {  	s14 =	sor.u32 $0x200, s16;
	s16 =	sadd.s32 $0x10, s15;
	v0 =	vld.msk [tilespmem:s17+$0x0 ss:$0x1], $0xffff;
	vm1 =	vgt.s32 v2, $0x0;
	(ifvalue) =	ssetifvalue $0x7FFFFFFF  }
.LBB2_3:
0x33: {  	[tilespmem:s15], [sflag:$0x1] =	stream.indirect_vreg.gather [hbm4b:s3+s10], $0x1, v1, vm0, $0x4038;
	[tilespmem:$0x400] =	vst v63  }
0x34: {  	s18 =	sadd.s32 $0x10, s18  }
0x35: {  	v2 =	vnsel vm1, $0x0, v2;
	p1 =	slt.u32 s18, $0xF0  }
.Ltmp3:
0x36: {  	s15 =	smov.u32 s16;
	v1 =	vmin.u32 v2, $0x4E1F;
	(pc) =	sbr.rel @p1 .LBB2_3-.Ltmp3, $3  }
0x37: {  	_ =	sdelay $0x1  }
0x38: {  	s17 =	sadd.s32 $0x10, s17  }
0x39: {  	vm1 =	vgt.s32 v0, $0x0;
	s16 =	sadd.s32 $0x10, s16;
	v2 =	vmov v0;
	(ifvalue) =	ssetifvalue $0x7FFFFFFF;
	v0 =	vld.msk [tilespmem:s17+$0x0 ss:$0x1], $0xffff  }
.Ltmp4:
0x3a: {  	_ = 	snop;
	(pc) =	sbr.rel .LBB2_4-.Ltmp4, $1  }
0x3b: {  	_ =	sdelay $0x3  }
.LBB2_6:
0x3c: {  	_ =	sfence.sel $0x180000  }
0x3d: {  	s2 =	simm.s32 $0x2;
	[bflag:$0x0] =	sbarrier.arrive $0xFFFF  }
0x3e: {  	s30 =	simm.s32 $0x3;
	[sflag:s2] =	ssyncpa.u1 $0x1  }
0x3f: {  	s31 =	simm.s32 $0x1;
	[sflag:s30] =	ssyncpa.u1 $0x1  }
0x40: {  	[sflag:s31] =	ssyncpa.u1 $0x1  }
0x41: {  	p0 =	sne.s32 s1, $0x0;
	_ =	strace $0x9000004D  }
0x42: {  	s0 =	sadd.s32 @!p0 $0x100000, s0;
	[bflag:$0x2] =	sbarrier.arrive $0xFFFF  }
0x43: {  	[sflag:s0] =	ssyncadd.tile.s32 @!p0 $0x1;
	_ =	shalt  }
.Lfunc_end2:
_tile_overlayer_lowered:
.L_overlay_start_2:
0x44: {  	(tag) =	ssettag $0x2  }
0x45: {  	s0 =	rddreg [dreg:$0x0];
	s2 =	stileid.u32  }
0x46: {  	s1 =	rddreg [dreg:$0x1];
	p0 =	sne.s32 s2, $0x0  }
0x47: {  	s3 =	rddreg [dreg:$0x2];
	[bflag:$0x3] =	sbarrier.arrive $0xFFFF;
	s2 =	simm.s32 @!p0 $0x1C01  }
0x48: {  	[timem:s3], [sflag:s2] =	dma.local @!p0 [hbm:s0], s1  }
0x49: {  	s0 =	simm.s32 @!p0 $0x1  }
0x4a: {  	_ =	swait.ge @!p0 [sflag:s0], s1  }
0x4b: {  	s1 =	ssub.s32 @!p0 $0x0, s1;
	[sflag:s0] =	ssyncset.done @!p0 $0x0  }
0x4c: {  	[sflag:s0] =	ssyncadd.s32 @!p0 s1  }
0x4d: {  	[bflag:$0x3] =	sbarrier.arrive $0xFFFF  }
0x4e: {  	_ =	shalt  }

// kernel: gather_offload_async_start.2
scs
__scs_entry_jumppad:
0x0: {  	(pc) =	sbr.rel $0x88, $3  }
0x1: {  	(tag) =	ssettag $0x0;
	lr =	simm.s32 $0x1  }
0x2: {  	[smem:$0x3F98] =	sst lr;
	_ =	strace $0xD0000000  }
0x3: {  	_ = 	snop  }
0x4: {  	_ = 	snop  }
0x5: {  	_ = 	snop  }
0x6: {  	_ = 	snop  }
0x7: {  	_ = 	snop  }
__scs_overlays_trampoline_lowered:
0x8: {  	[smem:$0x3FA7] =	sst s0  }
0x9: {  	[smem:$0x3FA8] =	sst s1  }
0xa: {  	[smem:$0x3FA9] =	sst s2  }
0xb: {  	[smem:$0x3FAA] =	sst s3  }
0xc: {  	[smem:$0x3FAB] =	sst s4  }
0xd: {  	[smem:$0x3FAC] =	sst s5  }
0xe: {  	[smem:$0x3FAD] =	sst s6  }
0xf: {  	[smem:$0x3FAE] =	sst s7  }
0x10: {  	[smem:$0x3FAF] =	sst s8  }
0x11: {  	[smem:$0x3FB0] =	sst s9;
	s0 =	simm.s32 @!p0 $0x0  }
0x12: {  	s1 =	sld [smem:$0x3F96];
	s0 =	simm.s32 @p0 $0x1  }
0x13: {  	[smem:$0x3FB1] =	sst s0;
	s0 =	simm.s32 @!p1 $0x0  }
0x14: {  	s2 =	sld [smem:$0x3F95];
	s0 =	simm.s32 @p1 $0x1  }
0x15: {  	[smem:$0x3FB2] =	sst s0;
	s0 =	simm.s32 @!p2 $0x0  }
0x16: {  	s3 =	sld [smem:$0x3FDB];
	s0 =	simm.s32 @p2 $0x1  }
0x17: {  	s4 =	simm.s32 $0x1BF5;
	[smem:$0x3FB4] =	sst s0  }
0x18: {  	s0 =	sld [smem:$0x3F97];
	_ =	swait.ge [sflag:s4], $0x0  }
0x19: {  	s7 =	sld [smem:$0x3F98]  }
0x1a: {  	s8 =	sadd.s32 $0xFFFFE003, lr  }
0x1b: {  	s9 =	sadd.s32 $0xFFFFFEF7, lr;
	s5 =	simm.s32 $0xFFFFFFFF;
	p2 =	slt.u32 s8, $0xFFFFF086  }
0x1c: {  	p1 =	slt.u32 s9, $0xF7A;
	s5 =	simm.s32 @!p2 $0x0  }
0x1d: {  	s5 =	simm.s32 @p1 $0x1;
	p0 =	seq.s32 s7, s2  }
0x1e: {  	s7 =	smul.u32 @!p0 $0xF7A, s2;
	p2 =	seq.s32 @!p0 s5, $0x0  }
0x1f: {  	s9 =	smul.u32 $0xF7A, s1;
	s8 =	simm.s32 @!p0 $0x1BF5;
	p2 =	por !p2, p0  }
0x20: {  	[sflag:s8] =	ssyncset.s32 @!p0 $0xFFFFF086;
	s6 =	sadd.s32 @!p0 s3, s7;
	s7 =	simm.s32 @!p0 $0x108  }
0x21: {  	s3 =	sadd.s32 s3, s9;
	s6 =	sadd.s32 @!p0 $0x88, s6;
	s7 =	simm.s32 @p2 $0x1082  }
0x22: {  	[simem:s7], [sflag:s8] =	dma.local @!p0 [hbm:s6], $0xF7A  }
0x23: {  	s9 =	sor.u32 $0xD0000000, s2;
	s6 =	simm.s32 $0x108;
	_ =	swait.ge @!p0 [sflag:s8], $0x0  }
0x24: {  	s3 =	sadd.s32 $0x88, s3;
	s6 =	simm.s32 @!p1 $0x1082;
	[sflag:s4] =	ssyncset.s32 $0xFFFFF086  }
0x25: {  	[simem:s6], [sflag:s4] =	dma.local [hbm:s3], $0xF7A  }
0x26: {  	[smem:$0x3F98] =	sst s1;
	(tag) =	ssettag s2;
	_ =	strace s9  }
0x27: {  	s1 =	sld [smem:$0x3FA8]  }
0x28: {  	s2 =	sld [smem:$0x3FA9]  }
0x29: {  	s4 =	sld [smem:$0x3FAB]  }
0x2a: {  	p0 =	seq.s32 s5, $0x0;
	s5 =	sld [smem:$0x3FAC]  }
0x2b: {  	s6 =	sld [smem:$0x3FAD]  }
0x2c: {  	s7 =	sld [smem:$0x3FAE]  }
0x2d: {  	s3 =	simm.s32 $0x108;
	s8 =	sld [smem:$0x3FAF]  }
0x2e: {  	s3 =	simm.s32 @!p0 $0x1082;
	s9 =	sld [smem:$0x3FB0]  }
0x2f: {  	lr =	sadd.s32 s0, s3;
	s0 =	sld [smem:$0x3FA7]  }
0x30: {  	s3 =	sld [smem:$0x3FAA]  }
0x31: {  	[smem:$0x3FB3] =	sst s10  }
0x32: {  	s10 =	sld [smem:$0x3FB1];
	_ =	sdelay $0x3  }
0x33: {  	p0 =	seq.s32 s10, $0x1;
	s10 =	sld [smem:$0x3FB3];
	_ =	sdelay $0x3  }
0x34: {  	[smem:$0x3FB3] =	sst s10  }
0x35: {  	s10 =	sld [smem:$0x3FB2];
	_ =	sdelay $0x3  }
0x36: {  	p1 =	seq.s32 s10, $0x1;
	s10 =	sld [smem:$0x3FB3];
	_ =	sdelay $0x3  }
0x37: {  	[smem:$0x3FB3] =	sst s10  }
0x38: {  	s10 =	sld [smem:$0x3FB4]  }
0x39: {  	_ = 	snop;
	(pc) =	sbr.ind lr, $3  }
0x3a: {  	_ = 	snop  }
0x3b: {  	_ = 	snop  }
0x3c: {  	p2 =	seq.s32 s10, $0x1;
	s10 =	sld [smem:$0x3FB3]  }
0x3d: {  	_ =	shalt  }
0x3e: {  	_ =	shalt  }
0x3f: {  	_ =	shalt  }
0x40: {  	_ =	shalt  }
0x41: {  	_ =	shalt  }
0x42: {  	_ =	shalt  }
0x43: {  	_ =	shalt  }
0x44: {  	_ =	shalt  }
0x45: {  	_ =	shalt  }
0x46: {  	_ =	shalt  }
0x47: {  	_ =	shalt  }
0x48: {  	_ =	shalt  }
0x49: {  	_ =	shalt  }
0x4a: {  	_ =	shalt  }
0x4b: {  	_ =	shalt  }
0x4c: {  	_ =	shalt  }
0x4d: {  	_ =	shalt  }
0x4e: {  	_ =	shalt  }
0x4f: {  	_ =	shalt  }
0x50: {  	_ =	shalt  }
0x51: {  	_ =	shalt  }
0x52: {  	_ =	shalt  }
0x53: {  	_ =	shalt  }
0x54: {  	_ =	shalt  }
0x55: {  	_ =	shalt  }
0x56: {  	_ =	shalt  }
0x57: {  	_ =	shalt  }
0x58: {  	_ =	shalt  }
0x59: {  	_ =	shalt  }
0x5a: {  	_ =	shalt  }
0x5b: {  	_ =	shalt  }
0x5c: {  	_ =	shalt  }
0x5d: {  	_ =	shalt  }
0x5e: {  	_ =	shalt  }
0x5f: {  	_ =	shalt  }
0x60: {  	_ =	shalt  }
0x61: {  	_ =	shalt  }
0x62: {  	_ =	shalt  }
0x63: {  	_ =	shalt  }
0x64: {  	_ =	shalt  }
0x65: {  	_ =	shalt  }
0x66: {  	_ =	shalt  }
0x67: {  	_ =	shalt  }
0x68: {  	_ =	shalt  }
0x69: {  	_ =	shalt  }
0x6a: {  	_ =	shalt  }
0x6b: {  	_ =	shalt  }
0x6c: {  	_ =	shalt  }
0x6d: {  	_ =	shalt  }
0x6e: {  	_ =	shalt  }
0x6f: {  	_ =	shalt  }
0x70: {  	_ =	shalt  }
0x71: {  	_ =	shalt  }
0x72: {  	_ =	shalt  }
0x73: {  	_ =	shalt  }
0x74: {  	_ =	shalt  }
0x75: {  	_ =	shalt  }
0x76: {  	_ =	shalt  }
0x77: {  	_ =	shalt  }
0x78: {  	_ =	shalt  }
0x79: {  	_ =	shalt  }
0x7a: {  	_ =	shalt  }
0x7b: {  	_ =	shalt  }
0x7c: {  	_ =	shalt  }
0x7d: {  	_ =	shalt  }
0x7e: {  	_ =	shalt  }
0x7f: {  	_ =	shalt  }
0x80: {  	_ =	shalt  }
0x81: {  	_ =	shalt  }
0x82: {  	_ =	shalt  }
0x83: {  	_ =	shalt  }
0x84: {  	_ =	shalt  }
0x85: {  	_ =	shalt  }
0x86: {  	_ =	shalt  }
0x87: {  	_ =	shalt  }
.Lfunc_end0:
.L_simem_size_0:
called_computation.2_lowered:
.L_overlay_start_0:
0x88: {  	s2 =	sld [smem:$0x3FD9]  }
0x89: {  	s3 =	sld [smem:$0x3FFE];
	_ =	sdelay $0x1  }
0x8a: {  	s1 =	srdreg.scid  }
0x8b: {  	s0 =	sand.u32 $0x1, s1  }
0x8c: {  	s17 =	sshll.u32 s0, $0xA;
	s2 =	sadd.s32 s3, s2  }
0x8d: {  	s2 =	sadd.s32 s2, s17  }
0x8e: {  	[smem:$0x3FBF] =	sst s2  }
0x8f: {  	_ = 	snop  }
0x90: {  	s18 =	sld [smem:$0x3FD0];
	(tm) =	ssettm $0x1  }
0x91: {  	s19 =	sld [smem:$0x3FFB];
	_ =	sdelay $0x3  }
0x92: {  	_ =	strace s19  }
0x93: {  	s2 =	sld [smem:$0x3FFC];
	_ =	sdelay $0x3  }
0x94: {  	_ =	strace s2  }
0x95: {  	s2 =	sld [smem:$0x3FFD];
	_ =	sdelay $0x3  }
0x96: {  	_ =	strace s2  }
0x97: {  	_ =	strace $0x8FFFFFFF  }
0x98: {  	s20 =	sld [smem:$0x3FDB];
	_ =	sdelay $0x1  }
0x99: {  	s4 =	simm.s32 $_scs_section_size  }
0x9a: {  	s5 =	simm.s32 $_size__tile_overlayer_lowered;
	s6 =	simm.s32 $_tile_overlayer_lowered  }
0x9b: {  	s7 =	simm.s32 $0x1BFF;
	s21 =	sshll.u32 s6, $0x1;
	s4 =	sadd.s32 s4, s20  }
0x9c: {  	s22 =	simm.s32 $0x0;
	s5 =	sshll.u32 s5, $0x1;
	s6 =	sadd.s32 s21, s4  }
0x9d: {  	[timem:s22], [sflag:s7] =	dma.local [hbm:s6], s5  }
0x9e: {  	_ =	swait.ge [sflag:s7], s5  }
0x9f: {  	s5 =	ssub.s32 $0x0, s5;
	[sflag:s7] =	ssyncset.done $0x0  }
0xa0: {  	[sflag:s7] =	ssyncadd.s32 s5;
	_ =	sdelay $0x1  }
0xa1: {  	s23 =	simm.s32 $0x1B8B  }
0xa2: {  	_ =	swait.ge [sflag:s23], $0x1  }
0xa3: {  	[sflag:s23] =	ssyncset.done $0x0  }
0xa4: {  	[sflag:s23] =	ssyncadd.s32 $0xFFFFFFFF  }
0xa5: {  	s5 =	sld [smem:$0x0]  }
0xa6: {  	s6 =	sand.u32 $0xFFFFFFFE, s1  }
0xa7: {  	p0 =	sne.s32 s1, s6  }
0xa8: {  	s6 =	sshll.u32 @p0 s6, $0xE  }
0xa9: {  	s6 =	sadd.s32 @p0 $0x11B8D, s6;
	s7 =	sshll.u32 @p0 s5, $0x11  }
0xaa: {  	s6 =	sor.u32 @p0 s7, s6  }
0xab: {  	[sflag:s6] =	ssyncadd.remote.s32 @p0 $0x1;
	_ =	sdelay $0x1  }
0xac: {  	s6 =	simm.s32 @p0 $0x1B8D  }
0xad: {  	_ =	swait.eq @p0 [sflag:s6], $0x1  }
0xae: {  	[sflag:s6] =	ssyncadd.s32 @p0 $0xFFFFFFFF  }
0xaf: {  	s7 =	sshll.u32 @!p0 s1, $0xE  }
0xb0: {  	s7 =	sor.u32 @!p0 $0x4000, s7;
	s6 =	simm.s32 @!p0 $0x1B8D  }
0xb1: {  	s5 =	sshll.u32 @!p0 s5, $0x11;
	s7 =	sadd.s32 @!p0 $0x11B8D, s7;
	_ =	swait.eq @!p0 [sflag:s6], $0x1  }
0xb2: {  	s5 =	sor.u32 @!p0 s5, s7;
	[sflag:s6] =	ssyncadd.s32 @!p0 $0xFFFFFFFF  }
0xb3: {  	s25 =	simm.s32 $0x1B8E;
	s24 =	sld [smem:$0x3FFE];
	[sflag:s5] =	ssyncadd.remote.s32 @!p0 $0x1  }
0xb4: {  	s26 =	simm.s32 $execute0_lowered;
	[smem:$0x3FD2] =	sst s25  }
0xb5: {  	s6 =	sshll.u32 s26, $0x1;
	_ =	strace $0x80000052;
	[dreg:$0x1] =	wrdreg $0xFFFFFFFF  }
0xb6: {  	s28 =	simm.s32 $_size_execute0_lowered;
	s4 =	sadd.s32 s4, s6;
	[dreg:$0x0] =	wrdreg $0x0  }
0xb7: {  	s6 =	sshll.u32 s28, $0x1;
	[dreg:$0x2] =	wrdreg s4  }
0xb8: {  	[dreg:$0x3] =	wrdreg s6  }
0xb9: {  	[dreg:$0x4] =	wrdreg $0xC0  }
0xba: {  	_ =	task [dreg:s22], $0x5FFFF  }
0xbb: {  	[dreg:$0x1] =	wrdreg $0xFFFFFFFF  }
0xbc: {  	[dreg:$0x0] =	wrdreg $0x60  }
0xbd: {  	[dreg:$0x2] =	wrdreg s24  }
0xbe: {  	[dreg:$0x3] =	wrdreg s18  }
0xbf: {  	[dreg:$0x4] =	wrdreg $0xB  }
0xc0: {  	_ =	task.clear_ibuf [dreg:s22], $0x5FFFF;
	_ =	strace $0x90000052  }
0xc1: {  	s29 =	simm.s32 $0xB;
	_ =	strace $0x80000054  }
0xc2: {  	_ =	swait.ge [sflag:s29], $0x1  }
0xc3: {  	[sflag:s29] =	ssyncadd.s32 $0xFFFFFFFF  }
0xc4: {  	_ =	strace $0x90000054  }
0xc5: {  	_ =	sfence  }
0xc6: {  	s30 =	sld [smem:$0x0];
	_ =	sdelay $0x2  }
0xc7: {  	s31 =	sshll.u32 s1, $0xD;
	s1 =	sshrl.u32 s1, $0x2  }
0xc8: {  	s4 =	sand.u32 $0x4000, s31;
	s1 =	sadd.s32 s1, s30  }
0xc9: {  	s0 =	sor.u32 s4, s0;
	s1 =	sshll.u32 s1, $0x11  }
0xca: {  	s0 =	sor.u32 s1, s0  }
0xcb: {  	s0 =	sadd.s32 $0x8F2B, s0  }
0xcc: {  	[sflag:s0] =	ssyncadd.remote.s32 $0x1  }
0xcd: {  	_ =	sfence.sel $0xFFFF  }
0xce: {  	[dreg:$0x0] =	wrdreg $0xFFFFFFFF;
	(pc) =	sbr.abs _section_cstart, $3  }
0xcf: {  	[dreg:$0x1] =	wrdreg $0xFFFFFFFF  }
0xd0: {  	_ =	task.clear_ibuf [dreg:s22], $0x2FFFF;
	_ =	strace $0x9FFFFFFF  }
0xd1: {  	(tm) =	ssettm $0x7FFFFFFF  }
tec
execute0_lowered:
.L_overlay_start_1:
0x0: {  	(tag) =	ssettag $0x1  }
0x1: {  	s7 =	rddreg [dreg:$0x0]  }
0x2: {  	s2 =	rddreg [dreg:$0x1]  }
0x3: {  	s0 =	rddreg [dreg:$0x2]  }
0x4: {  	s1 =	srdreg.scid;
	_ =	strace $0x80000053;
	s4 =	simm.s32 $0x1  }
0x5: {  	s9 =	simm.s32 $0x3;
	s11 =	simm.s32 $0x0;
	s5 =	sshll.u32 s1, $0x4  }
.Ltmp0:
0x6: {  	s1 =	stileid.u32;
	s5 =	sand.u32 $0x10, s5;
	(pc) =	sbr.rel .LBB2_1-.Ltmp0, $4  }
0x7: {  	p0 =	por $0x0, $0x0;
	s3 =	sadd.s32 $0x8400, s7;
	s6 =	sor.u32 s1, s5  }
0x8: {  	[sflag:s4] =	ssyncpa.u1 $0x0;
	s5 =	simm.s32 $0x2;
	s6 =	sshll.u32 s6, $0x9  }
0x9: {  	s7 =	sadd.s32 $0xA4A00, s7;
	[sflag:s5] =	ssyncpa.u1 $0x0;
	s8 =	sadd.s32 $0x200, s6  }
0xa: {  	vm0 =	vmmov $0xff;
	vm1 =	vcmask $0x3F20;
	[sflag:s9] =	ssyncpa.u1 $0x0;
	s10 =	smov.u32 s6;
	s9 =	simm.s32 $0x0  }
.LBB2_8:
0xb: {  	[hbm:s15] =	stream.linear.scatter [tilespmem:s12], [sflag:$0x3], $0x800, $0x38;
	[tilespmem:$0x10100] =	vst v63  }
.LBB2_9:
0xc: {  	p1 =	slt.u32 s9, $0x2;
	s11 =	sadd.s32 $0x80, s10  }
0xd: {  	s13 =	smov.u32 s6;
	s9 =	sadd.s32 $0x1, s9;
	p2 =	slt.s32 s11, s8  }
0xe: {  	s13 =	smov.u32 @p2 s11;
	p2 =	sne.s32 s9, $0x6  }
.Ltmp1:
0xf: {  	_ = 	snop;
	(pc) =	sbr.rel @!p2 .LBB2_10-.Ltmp1, $4  }
0x10: {  	s12 =	simm.s32 @!p1 $0x3  }
0x11: {  	_ =	swait.ge @!p1 [sflag:s12], $0x8000  }
0x12: {  	p0 =	por !p0, !p0;
	[sflag:s12] =	ssyncset.done @!p1 $0x0  }
0x13: {  	s11 =	smov.u32 s10;
	s10 =	smov.u32 s13;
	[sflag:s12] =	ssyncadd.s32 @!p1 $0xFFFF8000  }
.LBB2_1:
0x14: {  	p1 =	sgt.u32 s9, $0x3  }
0x15: {  	s12 =	sxor.u32 @!p1 $0xFFFFFFFF, s9  }
0x16: {  	s13 =	sshrl.u32 @!p1 s10, $0x3;
	s12 =	sshll.u32 @!p1 s12, $0x7  }
0x17: {  	s14 =	sand.u32 @!p1 $0x7, s10;
	s13 =	sadd.s32 @!p1 s2, s13;
	s12 =	sand.u32 @!p1 $0x80, s12  }
0x18: {  	[tilespmem:s12], [sflag:$0x2] =	stream.linear.gather @!p1 [hbm4b:s13+s14], $0x80, $0x38;
	[tilespmem:$0x10100] =	vst v63  }
0x19: {  	p1 =	seq.s32 s9, $0x0  }
0x1a: {  	p2 =	seq.s32 @!p1 s9, $0x5  }
0x1b: {  	p1 =	por p1, p2  }
.Ltmp2:
0x1c: {  	_ = 	snop;
	(pc) =	sbr.rel @p1 .LBB2_9-.Ltmp2, $1  }
0x1d: {  	_ =	sdelay $0x3  }
0x1e: {  	s12 =	simm.s32 $0x1;
	_ =	swait.ge [sflag:s5], $0x80;
	s13 =	sand.u32 $0x1, s9  }
0x1f: {  	s15 =	simm.s32 $0x0;
	s12 =	simm.s32 @!p0 $0x0;
	[sflag:s5] =	ssyncset.done $0x0  }
0x20: {  	s14 =	sshll.u32 s13, $0xF;
	s13 =	sshll.u32 s13, $0x7;
	s12 =	sshll.u32 s12, $0xF  }
0x21: {  	[sflag:s5] =	ssyncadd.s32 $0xFFFFFF80;
	s14 =	sor.u32 $0x100, s14;
	s12 =	sor.u32 $0x100, s12  }
.LBB2_3:
0x22: {  	s16 =	sshll.u32 s15, $0x4  }
0x23: {  	s16 =	sand.u32 $0x3FFFFFF0, s16  }
0x24: {  	s16 =	sadd.s32 s16, s13  }
0x25: {  	v0 =	vld.msk [tilespmem:s16+$0x0 ss:$0x1], $0xffff;
	_ =	sdelay $0x4  }
0x26: {  	vm2 =	vgt.s32 v0, $0x0  }
0x27: {  	v0 =	vnsel vm2, $0x0, v0  }
0x28: {  	v0 =	vmin.u32 v0, $0x4E20  }
0x29: {  	s31 =	sshll.u32 s15, $0xC;
	v1 =	vshll.u32 v0, $0x5;
	v0 =	vshll.u32 v0, $0x4  }
0x2a: {  	s16 =	sand.u32 $0x3FFFF000, s31;
	v1 =	vand.u32 $0xFFF00, v1;
	v0 =	vand.u32 $0x70, v0  }
0x2b: {  	p1 =	por $0x1, $0x1;
	s17 =	simm.s32 $0x0;
	s16 =	sadd.s32 s16, s14;
	v0 =	vor.u32 v0, v1  }
.LBB2_4:
0x2c: {  	_ =	sdelay $0x1  }
0x2d: {  	s17 =	sshra.s32 s17, $0x2;
	p2 =	por p1, p1  }
.Ltmp3:
0x2e: {  	s17 =	sadd.s32 s17, s16;
	(pc) =	sbr.rel @p2 .LBB2_4-.Ltmp3, $4  }
0x2f: {  	[tilespmem:s17], [sflag:$0x1] =	stream.indirect_vreg.gather [hbm:s3], $0x80, v0, vm0, $0x38;
	[tilespmem:$0x10100] =	vst v63  }
0x30: {  	s17 =	sadd.s32 $0x800, s17  }
0x31: {  	[tilespmem:s17], [sflag:$0x1] =	stream.indirect_vreg.gather [hbm:s3], $0x80, v0, vm1, $0x38;
	[tilespmem:$0x10100] =	vst v63  }
0x32: {  	p1 =	por $0x0, $0x0;
	v0 =	vadd.s32 $0x80, v0;
	s17 =	simm.s32 $0x1000  }
0x33: {  	s15 =	sadd.s32 $0x1, s15  }
0x34: {  	p1 =	sne.s32 s15, $0x8  }
.Ltmp4:
0x35: {  	_ = 	snop;
	(pc) =	sbr.rel @p1 .LBB2_3-.Ltmp4, $1  }
0x36: {  	_ =	sdelay $0x3  }
0x37: {  	s13 =	sshll.u32 s11, $0x5  }
0x38: {  	s31 =	sshll.u32 s11, $0x4;
	s13 =	sand.u32 $0xFFFFFF00, s13  }
0x39: {  	_ =	swait.ge [sflag:s4], $0x8000;
	s11 =	sand.u32 $0x70, s31;
	s13 =	sadd.s32 s13, s7  }
0x3a: {  	s14 =	sadd.s32 $0x800, s12;
	[sflag:s4] =	ssyncset.done $0x0;
	s11 =	sadd.s32 s11, s13  }
0x3b: {  	[sflag:s4] =	ssyncadd.s32 $0xFFFF8000;
	s13 =	simm.s32 $0x100;
	s15 =	sadd.s32 $0x0, s11  }
.LBB2_7:
0x3c: {  	[hbm:s15] =	stream.linear.scatter [tilespmem:s12], [sflag:$0x3], $0x800, $0x38;
	[tilespmem:$0x10100] =	vst v63  }
0x3d: {  	s15 =	smov.u32 s13;
	s12 =	smov.u32 s14;
	p1 =	sne.s32 s13, $0xF00  }
.Ltmp5:
0x3e: {  	s13 =	sadd.s32 $0x100, s13;
	(pc) =	sbr.rel @p1 .LBB2_7-.Ltmp5, $2  }
0x3f: {  	_ =	sdelay $0x2  }
0x40: {  	s14 =	sadd.s32 $0x800, s14;
	s15 =	sadd.s32 s15, s11  }
.Ltmp6:
0x41: {  	_ = 	snop;
	(pc) =	sbr.rel .LBB2_8-.Ltmp6, $1  }
0x42: {  	_ =	sdelay $0x3  }
.LBB2_10:
0x43: {  	_ =	sfence.sel $0x180000  }
0x44: {  	s2 =	simm.s32 $0x2;
	[bflag:$0x0] =	sbarrier.arrive $0xFFFF  }
0x45: {  	s30 =	simm.s32 $0x3;
	[sflag:s2] =	ssyncpa.u1 $0x1  }
0x46: {  	s31 =	simm.s32 $0x1;
	[sflag:s30] =	ssyncpa.u1 $0x1  }
0x47: {  	[sflag:s31] =	ssyncpa.u1 $0x1  }
0x48: {  	p0 =	sne.s32 s1, $0x0;
	_ =	strace $0x90000053  }
0x49: {  	s0 =	sadd.s32 @!p0 $0x100000, s0;
	[bflag:$0x2] =	sbarrier.arrive $0xFFFF  }
0x4a: {  	[sflag:s0] =	ssyncadd.tile.s32 @!p0 $0x1;
	_ =	shalt  }
.Lfunc_end2:
_tile_overlayer_lowered:
.L_overlay_start_2:
0x4b: {  	(tag) =	ssettag $0x2  }
0x4c: {  	s0 =	rddreg [dreg:$0x0];
	s2 =	stileid.u32  }
0x4d: {  	s1 =	rddreg [dreg:$0x1];
	p0 =	sne.s32 s2, $0x0  }
0x4e: {  	s3 =	rddreg [dreg:$0x2];
	[bflag:$0x3] =	sbarrier.arrive $0xFFFF;
	s2 =	simm.s32 @!p0 $0x1C01  }
0x4f: {  	[timem:s3], [sflag:s2] =	dma.local @!p0 [hbm:s0], s1  }
0x50: {  	s0 =	simm.s32 @!p0 $0x1  }
0x51: {  	_ =	swait.ge @!p0 [sflag:s0], s1  }
0x52: {  	s1 =	ssub.s32 @!p0 $0x0, s1;
	[sflag:s0] =	ssyncset.done @!p0 $0x0  }
0x53: {  	[sflag:s0] =	ssyncadd.s32 @!p0 s1  }
0x54: {  	[bflag:$0x3] =	sbarrier.arrive $0xFFFF  }
0x55: {  	_ =	shalt  }

// kernel: gather_offload_async_start.3
scs
__scs_entry_jumppad:
0x0: {  	(pc) =	sbr.rel $0x88, $3  }
0x1: {  	(tag) =	ssettag $0x0;
	lr =	simm.s32 $0x1  }
0x2: {  	[smem:$0x3F98] =	sst lr;
	_ =	strace $0xD0000000  }
0x3: {  	_ = 	snop  }
0x4: {  	_ = 	snop  }
0x5: {  	_ = 	snop  }
0x6: {  	_ = 	snop  }
0x7: {  	_ = 	snop  }
__scs_overlays_trampoline_lowered:
0x8: {  	[smem:$0x3FA7] =	sst s0  }
0x9: {  	[smem:$0x3FA8] =	sst s1  }
0xa: {  	[smem:$0x3FA9] =	sst s2  }
0xb: {  	[smem:$0x3FAA] =	sst s3  }
0xc: {  	[smem:$0x3FAB] =	sst s4  }
0xd: {  	[smem:$0x3FAC] =	sst s5  }
0xe: {  	[smem:$0x3FAD] =	sst s6  }
0xf: {  	[smem:$0x3FAE] =	sst s7  }
0x10: {  	[smem:$0x3FAF] =	sst s8  }
0x11: {  	[smem:$0x3FB0] =	sst s9;
	s0 =	simm.s32 @!p0 $0x0  }
0x12: {  	s1 =	sld [smem:$0x3F96];
	s0 =	simm.s32 @p0 $0x1  }
0x13: {  	[smem:$0x3FB1] =	sst s0;
	s0 =	simm.s32 @!p1 $0x0  }
0x14: {  	s2 =	sld [smem:$0x3F95];
	s0 =	simm.s32 @p1 $0x1  }
0x15: {  	[smem:$0x3FB2] =	sst s0;
	s0 =	simm.s32 @!p2 $0x0  }
0x16: {  	s3 =	sld [smem:$0x3FDB];
	s0 =	simm.s32 @p2 $0x1  }
0x17: {  	s4 =	simm.s32 $0x1BF5;
	[smem:$0x3FB4] =	sst s0  }
0x18: {  	s0 =	sld [smem:$0x3F97];
	_ =	swait.ge [sflag:s4], $0x0  }
0x19: {  	s7 =	sld [smem:$0x3F98]  }
0x1a: {  	s8 =	sadd.s32 $0xFFFFE003, lr  }
0x1b: {  	s9 =	sadd.s32 $0xFFFFFEF7, lr;
	s5 =	simm.s32 $0xFFFFFFFF;
	p2 =	slt.u32 s8, $0xFFFFF086  }
0x1c: {  	p1 =	slt.u32 s9, $0xF7A;
	s5 =	simm.s32 @!p2 $0x0  }
0x1d: {  	s5 =	simm.s32 @p1 $0x1;
	p0 =	seq.s32 s7, s2  }
0x1e: {  	s7 =	smul.u32 @!p0 $0xF7A, s2;
	p2 =	seq.s32 @!p0 s5, $0x0  }
0x1f: {  	s9 =	smul.u32 $0xF7A, s1;
	s8 =	simm.s32 @!p0 $0x1BF5;
	p2 =	por !p2, p0  }
0x20: {  	[sflag:s8] =	ssyncset.s32 @!p0 $0xFFFFF086;
	s6 =	sadd.s32 @!p0 s3, s7;
	s7 =	simm.s32 @!p0 $0x108  }
0x21: {  	s3 =	sadd.s32 s3, s9;
	s6 =	sadd.s32 @!p0 $0x88, s6;
	s7 =	simm.s32 @p2 $0x1082  }
0x22: {  	[simem:s7], [sflag:s8] =	dma.local @!p0 [hbm:s6], $0xF7A  }
0x23: {  	s9 =	sor.u32 $0xD0000000, s2;
	s6 =	simm.s32 $0x108;
	_ =	swait.ge @!p0 [sflag:s8], $0x0  }
0x24: {  	s3 =	sadd.s32 $0x88, s3;
	s6 =	simm.s32 @!p1 $0x1082;
	[sflag:s4] =	ssyncset.s32 $0xFFFFF086  }
0x25: {  	[simem:s6], [sflag:s4] =	dma.local [hbm:s3], $0xF7A  }
0x26: {  	[smem:$0x3F98] =	sst s1;
	(tag) =	ssettag s2;
	_ =	strace s9  }
0x27: {  	s1 =	sld [smem:$0x3FA8]  }
0x28: {  	s2 =	sld [smem:$0x3FA9]  }
0x29: {  	s4 =	sld [smem:$0x3FAB]  }
0x2a: {  	p0 =	seq.s32 s5, $0x0;
	s5 =	sld [smem:$0x3FAC]  }
0x2b: {  	s6 =	sld [smem:$0x3FAD]  }
0x2c: {  	s7 =	sld [smem:$0x3FAE]  }
0x2d: {  	s3 =	simm.s32 $0x108;
	s8 =	sld [smem:$0x3FAF]  }
0x2e: {  	s3 =	simm.s32 @!p0 $0x1082;
	s9 =	sld [smem:$0x3FB0]  }
0x2f: {  	lr =	sadd.s32 s0, s3;
	s0 =	sld [smem:$0x3FA7]  }
0x30: {  	s3 =	sld [smem:$0x3FAA]  }
0x31: {  	[smem:$0x3FB3] =	sst s10  }
0x32: {  	s10 =	sld [smem:$0x3FB1];
	_ =	sdelay $0x3  }
0x33: {  	p0 =	seq.s32 s10, $0x1;
	s10 =	sld [smem:$0x3FB3];
	_ =	sdelay $0x3  }
0x34: {  	[smem:$0x3FB3] =	sst s10  }
0x35: {  	s10 =	sld [smem:$0x3FB2];
	_ =	sdelay $0x3  }
0x36: {  	p1 =	seq.s32 s10, $0x1;
	s10 =	sld [smem:$0x3FB3];
	_ =	sdelay $0x3  }
0x37: {  	[smem:$0x3FB3] =	sst s10  }
0x38: {  	s10 =	sld [smem:$0x3FB4]  }
0x39: {  	_ = 	snop;
	(pc) =	sbr.ind lr, $3  }
0x3a: {  	_ = 	snop  }
0x3b: {  	_ = 	snop  }
0x3c: {  	p2 =	seq.s32 s10, $0x1;
	s10 =	sld [smem:$0x3FB3]  }
0x3d: {  	_ =	shalt  }
0x3e: {  	_ =	shalt  }
0x3f: {  	_ =	shalt  }
0x40: {  	_ =	shalt  }
0x41: {  	_ =	shalt  }
0x42: {  	_ =	shalt  }
0x43: {  	_ =	shalt  }
0x44: {  	_ =	shalt  }
0x45: {  	_ =	shalt  }
0x46: {  	_ =	shalt  }
0x47: {  	_ =	shalt  }
0x48: {  	_ =	shalt  }
0x49: {  	_ =	shalt  }
0x4a: {  	_ =	shalt  }
0x4b: {  	_ =	shalt  }
0x4c: {  	_ =	shalt  }
0x4d: {  	_ =	shalt  }
0x4e: {  	_ =	shalt  }
0x4f: {  	_ =	shalt  }
0x50: {  	_ =	shalt  }
0x51: {  	_ =	shalt  }
0x52: {  	_ =	shalt  }
0x53: {  	_ =	shalt  }
0x54: {  	_ =	shalt  }
0x55: {  	_ =	shalt  }
0x56: {  	_ =	shalt  }
0x57: {  	_ =	shalt  }
0x58: {  	_ =	shalt  }
0x59: {  	_ =	shalt  }
0x5a: {  	_ =	shalt  }
0x5b: {  	_ =	shalt  }
0x5c: {  	_ =	shalt  }
0x5d: {  	_ =	shalt  }
0x5e: {  	_ =	shalt  }
0x5f: {  	_ =	shalt  }
0x60: {  	_ =	shalt  }
0x61: {  	_ =	shalt  }
0x62: {  	_ =	shalt  }
0x63: {  	_ =	shalt  }
0x64: {  	_ =	shalt  }
0x65: {  	_ =	shalt  }
0x66: {  	_ =	shalt  }
0x67: {  	_ =	shalt  }
0x68: {  	_ =	shalt  }
0x69: {  	_ =	shalt  }
0x6a: {  	_ =	shalt  }
0x6b: {  	_ =	shalt  }
0x6c: {  	_ =	shalt  }
0x6d: {  	_ =	shalt  }
0x6e: {  	_ =	shalt  }
0x6f: {  	_ =	shalt  }
0x70: {  	_ =	shalt  }
0x71: {  	_ =	shalt  }
0x72: {  	_ =	shalt  }
0x73: {  	_ =	shalt  }
0x74: {  	_ =	shalt  }
0x75: {  	_ =	shalt  }
0x76: {  	_ =	shalt  }
0x77: {  	_ =	shalt  }
0x78: {  	_ =	shalt  }
0x79: {  	_ =	shalt  }
0x7a: {  	_ =	shalt  }
0x7b: {  	_ =	shalt  }
0x7c: {  	_ =	shalt  }
0x7d: {  	_ =	shalt  }
0x7e: {  	_ =	shalt  }
0x7f: {  	_ =	shalt  }
0x80: {  	_ =	shalt  }
0x81: {  	_ =	shalt  }
0x82: {  	_ =	shalt  }
0x83: {  	_ =	shalt  }
0x84: {  	_ =	shalt  }
0x85: {  	_ =	shalt  }
0x86: {  	_ =	shalt  }
0x87: {  	_ =	shalt  }
.Lfunc_end0:
.L_simem_size_0:
called_computation.3_lowered:
.L_overlay_start_0:
0x88: {  	s2 =	sld [smem:$0x3FD9]  }
0x89: {  	s3 =	sld [smem:$0x3FFE];
	_ =	sdelay $0x1  }
0x8a: {  	s1 =	srdreg.scid  }
0x8b: {  	s0 =	sand.u32 $0x1, s1  }
0x8c: {  	s17 =	sshll.u32 s0, $0xA;
	s2 =	sadd.s32 s3, s2  }
0x8d: {  	s2 =	sadd.s32 s2, s17  }
0x8e: {  	[smem:$0x3FBF] =	sst s2  }
0x8f: {  	_ = 	snop  }
0x90: {  	(tm) =	ssettm $0x1  }
0x91: {  	s18 =	sld [smem:$0x3FFB];
	_ =	sdelay $0x3  }
0x92: {  	_ =	strace s18  }
0x93: {  	s2 =	sld [smem:$0x3FFC];
	_ =	sdelay $0x3  }
0x94: {  	_ =	strace s2  }
0x95: {  	s2 =	sld [smem:$0x3FFD];
	_ =	sdelay $0x3  }
0x96: {  	_ =	strace s2  }
0x97: {  	_ =	strace $0x8FFFFFFF  }
0x98: {  	s19 =	sld [smem:$0x3FDB];
	_ =	sdelay $0x1  }
0x99: {  	s20 =	simm.s32 $_scs_section_size  }
0x9a: {  	s4 =	simm.s32 $_size__tile_overlayer_lowered;
	s5 =	simm.s32 $_tile_overlayer_lowered  }
0x9b: {  	s6 =	simm.s32 $0x1BFF;
	s21 =	sshll.u32 s5, $0x1;
	s3 =	sadd.s32 s20, s19  }
0x9c: {  	s22 =	simm.s32 $0x0;
	s4 =	sshll.u32 s4, $0x1;
	s5 =	sadd.s32 s21, s3  }
0x9d: {  	[timem:s22], [sflag:s6] =	dma.local [hbm:s5], s4  }
0x9e: {  	_ =	swait.ge [sflag:s6], s4  }
0x9f: {  	s4 =	ssub.s32 $0x0, s4;
	[sflag:s6] =	ssyncset.done $0x0  }
0xa0: {  	[sflag:s6] =	ssyncadd.s32 s4;
	_ =	sdelay $0x1  }
0xa1: {  	s23 =	simm.s32 $0x1B8B  }
0xa2: {  	_ =	swait.ge [sflag:s23], $0x1  }
0xa3: {  	[sflag:s23] =	ssyncset.done $0x0  }
0xa4: {  	[sflag:s23] =	ssyncadd.s32 $0xFFFFFFFF  }
0xa5: {  	s4 =	sld [smem:$0x0]  }
0xa6: {  	s5 =	sand.u32 $0xFFFFFFFE, s1  }
0xa7: {  	p0 =	sne.s32 s1, s5  }
0xa8: {  	s5 =	sshll.u32 @p0 s5, $0xE  }
0xa9: {  	s5 =	sadd.s32 @p0 $0x11B8D, s5;
	s6 =	sshll.u32 @p0 s4, $0x11  }
0xaa: {  	s5 =	sor.u32 @p0 s6, s5  }
0xab: {  	[sflag:s5] =	ssyncadd.remote.s32 @p0 $0x1;
	_ =	sdelay $0x1  }
0xac: {  	s5 =	simm.s32 @p0 $0x1B8D  }
0xad: {  	_ =	swait.eq @p0 [sflag:s5], $0x1  }
0xae: {  	[sflag:s5] =	ssyncadd.s32 @p0 $0xFFFFFFFF  }
0xaf: {  	s6 =	sshll.u32 @!p0 s1, $0xE  }
0xb0: {  	s6 =	sor.u32 @!p0 $0x4000, s6;
	s5 =	simm.s32 @!p0 $0x1B8D  }
0xb1: {  	s4 =	sshll.u32 @!p0 s4, $0x11;
	s6 =	sadd.s32 @!p0 $0x11B8D, s6;
	_ =	swait.eq @!p0 [sflag:s5], $0x1  }
0xb2: {  	s4 =	sor.u32 @!p0 s4, s6;
	[sflag:s5] =	ssyncadd.s32 @!p0 $0xFFFFFFFF  }
0xb3: {  	s25 =	simm.s32 $0x1B8E;
	s24 =	sld [smem:$0x3FFE];
	[sflag:s4] =	ssyncadd.remote.s32 @!p0 $0x1  }
0xb4: {  	s26 =	simm.s32 $execute0_lowered;
	[smem:$0x3FD2] =	sst s25  }
0xb5: {  	s5 =	sshll.u32 s26, $0x1;
	_ =	strace $0x80000055;
	[dreg:$0x1] =	wrdreg $0xFFFFFFFF  }
0xb6: {  	s28 =	simm.s32 $_size_execute0_lowered;
	s3 =	sadd.s32 s3, s5;
	[dreg:$0x0] =	wrdreg $0x0  }
0xb7: {  	s5 =	sshll.u32 s28, $0x1;
	[dreg:$0x2] =	wrdreg s3  }
0xb8: {  	[dreg:$0x3] =	wrdreg s5  }
0xb9: {  	[dreg:$0x4] =	wrdreg $0xC0  }
0xba: {  	_ =	task [dreg:s22], $0x5FFFF  }
0xbb: {  	[dreg:$0x1] =	wrdreg $0xFFFFFFFF  }
0xbc: {  	[dreg:$0x0] =	wrdreg $0x60  }
0xbd: {  	[dreg:$0x2] =	wrdreg s24  }
0xbe: {  	[dreg:$0x3] =	wrdreg $0xC  }
0xbf: {  	_ =	task.clear_ibuf [dreg:s22], $0x4FFFF;
	_ =	strace $0x90000055  }
0xc0: {  	s29 =	simm.s32 $0xC;
	_ =	strace $0x80000057  }
0xc1: {  	_ =	swait.ge [sflag:s29], $0x1  }
0xc2: {  	[sflag:s29] =	ssyncadd.s32 $0xFFFFFFFF  }
0xc3: {  	_ =	strace $0x90000057  }
0xc4: {  	_ =	sfence  }
0xc5: {  	s30 =	sld [smem:$0x0];
	_ =	sdelay $0x2  }
0xc6: {  	s31 =	sshll.u32 s1, $0xD;
	s1 =	sshrl.u32 s1, $0x2  }
0xc7: {  	s4 =	sand.u32 $0x4000, s31;
	s1 =	sadd.s32 s1, s30  }
0xc8: {  	s0 =	sor.u32 s4, s0;
	s1 =	sshll.u32 s1, $0x11  }
0xc9: {  	s0 =	sor.u32 s1, s0  }
0xca: {  	s0 =	sadd.s32 $0x8F2B, s0  }
0xcb: {  	[sflag:s0] =	ssyncadd.remote.s32 $0x1  }
0xcc: {  	_ =	sfence.sel $0xFFFF  }
0xcd: {  	[dreg:$0x0] =	wrdreg $0xFFFFFFFF;
	(pc) =	sbr.abs _section_cstart, $3  }
0xce: {  	[dreg:$0x1] =	wrdreg $0xFFFFFFFF  }
0xcf: {  	_ =	task.clear_ibuf [dreg:s22], $0x2FFFF;
	_ =	strace $0x9FFFFFFF  }
0xd0: {  	(tm) =	ssettm $0x7FFFFFFF  }
0xd1: {  	_ =	shalt  }
tec
execute0_lowered:
.L_overlay_start_1:
0x0: {  	(tag) =	ssettag $0x1  }
0x1: {  	s2 =	rddreg [dreg:$0x0]  }
0x2: {  	s0 =	rddreg [dreg:$0x1]  }
0x3: {  	s1 =	srdreg.scid;
	_ =	strace $0x80000056;
	s4 =	simm.s32 $0x1  }
0x4: {  	s9 =	simm.s32 $0x3;
	s11 =	simm.s32 $0x0;
	s5 =	sshll.u32 s1, $0x4  }
.Ltmp0:
0x5: {  	s1 =	stileid.u32;
	s5 =	sand.u32 $0x10, s5;
	(pc) =	sbr.rel .LBB2_1-.Ltmp0, $4  }
0x6: {  	p0 =	por $0x0, $0x0;
	s3 =	sadd.s32 $0x124A00, s2;
	s6 =	sor.u32 s1, s5  }
0x7: {  	[sflag:s4] =	ssyncpa.u1 $0x0;
	s5 =	simm.s32 $0x2;
	s6 =	sshll.u32 s6, $0x9  }
0x8: {  	s7 =	sadd.s32 $0x1C1000, s2;
	[sflag:s5] =	ssyncpa.u1 $0x0;
	s8 =	sadd.s32 $0x200, s6  }
0x9: {  	vm0 =	vmmov $0xff;
	vm1 =	vcmask $0x3F20;
	[sflag:s9] =	ssyncpa.u1 $0x0;
	s10 =	smov.u32 s6;
	s9 =	simm.s32 $0x0  }
.LBB2_8:
0xa: {  	[hbm:s15] =	stream.linear.scatter [tilespmem:s12], [sflag:$0x3], $0x800, $0x38;
	[tilespmem:$0x10100] =	vst v63  }
.LBB2_9:
0xb: {  	p1 =	slt.u32 s9, $0x2;
	s11 =	sadd.s32 $0x80, s10  }
0xc: {  	s13 =	smov.u32 s6;
	s9 =	sadd.s32 $0x1, s9;
	p2 =	slt.s32 s11, s8  }
0xd: {  	s13 =	smov.u32 @p2 s11;
	p2 =	sne.s32 s9, $0x6  }
.Ltmp1:
0xe: {  	_ = 	snop;
	(pc) =	sbr.rel @!p2 .LBB2_10-.Ltmp1, $4  }
0xf: {  	s12 =	simm.s32 @!p1 $0x3  }
0x10: {  	_ =	swait.ge @!p1 [sflag:s12], $0x8000  }
0x11: {  	p0 =	por !p0, !p0;
	[sflag:s12] =	ssyncset.done @!p1 $0x0  }
0x12: {  	s11 =	smov.u32 s10;
	s10 =	smov.u32 s13;
	[sflag:s12] =	ssyncadd.s32 @!p1 $0xFFFF8000  }
.LBB2_1:
0x13: {  	p1 =	sgt.u32 s9, $0x3  }
0x14: {  	s12 =	sxor.u32 @!p1 $0xFFFFFFFF, s9  }
0x15: {  	s13 =	sshrl.u32 @!p1 s10, $0x3;
	s12 =	sshll.u32 @!p1 s12, $0x7  }
0x16: {  	s14 =	sand.u32 @!p1 $0x7, s10;
	s13 =	sadd.s32 @!p1 s2, s13;
	s12 =	sand.u32 @!p1 $0x80, s12  }
0x17: {  	[tilespmem:s12], [sflag:$0x2] =	stream.linear.gather @!p1 [hbm4b:s13+s14], $0x80, $0x38;
	[tilespmem:$0x10100] =	vst v63  }
0x18: {  	p1 =	seq.s32 s9, $0x0  }
0x19: {  	p2 =	seq.s32 @!p1 s9, $0x5  }
0x1a: {  	p1 =	por p1, p2  }
.Ltmp2:
0x1b: {  	_ = 	snop;
	(pc) =	sbr.rel @p1 .LBB2_9-.Ltmp2, $1  }
0x1c: {  	_ =	sdelay $0x3  }
0x1d: {  	s12 =	simm.s32 $0x1;
	_ =	swait.ge [sflag:s5], $0x80;
	s13 =	sand.u32 $0x1, s9  }
0x1e: {  	s15 =	simm.s32 $0x0;
	s12 =	simm.s32 @!p0 $0x0;
	[sflag:s5] =	ssyncset.done $0x0  }
0x1f: {  	s14 =	sshll.u32 s13, $0xF;
	s13 =	sshll.u32 s13, $0x7;
	s12 =	sshll.u32 s12, $0xF  }
0x20: {  	[sflag:s5] =	ssyncadd.s32 $0xFFFFFF80;
	s14 =	sor.u32 $0x100, s14;
	s12 =	sor.u32 $0x100, s12  }
.LBB2_3:
0x21: {  	s16 =	sshll.u32 s15, $0x4  }
0x22: {  	s16 =	sand.u32 $0x3FFFFFF0, s16  }
0x23: {  	s16 =	sadd.s32 s16, s13  }
0x24: {  	v0 =	vld.msk [tilespmem:s16+$0x0 ss:$0x1], $0xffff;
	_ =	sdelay $0x4  }
0x25: {  	vm2 =	vgt.s32 v0, $0x0  }
0x26: {  	v0 =	vnsel vm2, $0x0, v0  }
0x27: {  	v0 =	vmin.u32 v0, $0x4E20  }
0x28: {  	s31 =	sshll.u32 s15, $0xC;
	v1 =	vshll.u32 v0, $0x5;
	v0 =	vshll.u32 v0, $0x4  }
0x29: {  	s16 =	sand.u32 $0x3FFFF000, s31;
	v1 =	vand.u32 $0xFFF00, v1;
	v0 =	vand.u32 $0x70, v0  }
0x2a: {  	p1 =	por $0x1, $0x1;
	s17 =	simm.s32 $0x0;
	s16 =	sadd.s32 s16, s14;
	v0 =	vor.u32 v0, v1  }
.LBB2_4:
0x2b: {  	_ =	sdelay $0x1  }
0x2c: {  	s17 =	sshra.s32 s17, $0x2;
	p2 =	por p1, p1  }
.Ltmp3:
0x2d: {  	s17 =	sadd.s32 s17, s16;
	(pc) =	sbr.rel @p2 .LBB2_4-.Ltmp3, $4  }
0x2e: {  	[tilespmem:s17], [sflag:$0x1] =	stream.indirect_vreg.gather [hbm:s3], $0x80, v0, vm0, $0x38;
	[tilespmem:$0x10100] =	vst v63  }
0x2f: {  	s17 =	sadd.s32 $0x800, s17  }
0x30: {  	[tilespmem:s17], [sflag:$0x1] =	stream.indirect_vreg.gather [hbm:s3], $0x80, v0, vm1, $0x38;
	[tilespmem:$0x10100] =	vst v63  }
0x31: {  	p1 =	por $0x0, $0x0;
	v0 =	vadd.s32 $0x80, v0;
	s17 =	simm.s32 $0x1000  }
0x32: {  	s15 =	sadd.s32 $0x1, s15  }
0x33: {  	p1 =	sne.s32 s15, $0x8  }
.Ltmp4:
0x34: {  	_ = 	snop;
	(pc) =	sbr.rel @p1 .LBB2_3-.Ltmp4, $1  }
0x35: {  	_ =	sdelay $0x3  }
0x36: {  	s13 =	sshll.u32 s11, $0x5  }
0x37: {  	s31 =	sshll.u32 s11, $0x4;
	s13 =	sand.u32 $0xFFFFFF00, s13  }
0x38: {  	_ =	swait.ge [sflag:s4], $0x8000;
	s11 =	sand.u32 $0x70, s31;
	s13 =	sadd.s32 s13, s7  }
0x39: {  	s14 =	sadd.s32 $0x800, s12;
	[sflag:s4] =	ssyncset.done $0x0;
	s11 =	sadd.s32 s11, s13  }
0x3a: {  	[sflag:s4] =	ssyncadd.s32 $0xFFFF8000;
	s13 =	simm.s32 $0x100;
	s15 =	sadd.s32 $0x0, s11  }
.LBB2_7:
0x3b: {  	[hbm:s15] =	stream.linear.scatter [tilespmem:s12], [sflag:$0x3], $0x800, $0x38;
	[tilespmem:$0x10100] =	vst v63  }
0x3c: {  	s15 =	smov.u32 s13;
	s12 =	smov.u32 s14;
	p1 =	sne.s32 s13, $0xF00  }
.Ltmp5:
0x3d: {  	s13 =	sadd.s32 $0x100, s13;
	(pc) =	sbr.rel @p1 .LBB2_7-.Ltmp5, $2  }
0x3e: {  	_ =	sdelay $0x2  }
0x3f: {  	s14 =	sadd.s32 $0x800, s14;
	s15 =	sadd.s32 s15, s11  }
.Ltmp6:
0x40: {  	_ = 	snop;
	(pc) =	sbr.rel .LBB2_8-.Ltmp6, $1  }
0x41: {  	_ =	sdelay $0x3  }
.LBB2_10:
0x42: {  	_ =	sfence.sel $0x180000  }
0x43: {  	s2 =	simm.s32 $0x2;
	[bflag:$0x0] =	sbarrier.arrive $0xFFFF  }
0x44: {  	s30 =	simm.s32 $0x3;
	[sflag:s2] =	ssyncpa.u1 $0x1  }
0x45: {  	s31 =	simm.s32 $0x1;
	[sflag:s30] =	ssyncpa.u1 $0x1  }
0x46: {  	[sflag:s31] =	ssyncpa.u1 $0x1  }
0x47: {  	p0 =	sne.s32 s1, $0x0;
	_ =	strace $0x90000056  }
0x48: {  	s0 =	sadd.s32 @!p0 $0x100000, s0;
	[bflag:$0x2] =	sbarrier.arrive $0xFFFF  }
0x49: {  	[sflag:s0] =	ssyncadd.tile.s32 @!p0 $0x1;
	_ =	shalt  }
.Lfunc_end2:
_tile_overlayer_lowered:
.L_overlay_start_2:
0x4a: {  	(tag) =	ssettag $0x2  }
0x4b: {  	s0 =	rddreg [dreg:$0x0];
	s2 =	stileid.u32  }
0x4c: {  	s1 =	rddreg [dreg:$0x1];
	p0 =	sne.s32 s2, $0x0  }
0x4d: {  	s3 =	rddreg [dreg:$0x2];
	[bflag:$0x3] =	sbarrier.arrive $0xFFFF;
	s2 =	simm.s32 @!p0 $0x1C01  }
0x4e: {  	[timem:s3], [sflag:s2] =	dma.local @!p0 [hbm:s0], s1  }
0x4f: {  	s0 =	simm.s32 @!p0 $0x1  }
0x50: {  	_ =	swait.ge @!p0 [sflag:s0], s1  }
0x51: {  	s1 =	ssub.s32 @!p0 $0x0, s1;
	[sflag:s0] =	ssyncset.done @!p0 $0x0  }
0x52: {  	[sflag:s0] =	ssyncadd.s32 @!p0 s1  }
0x53: {  	[bflag:$0x3] =	sbarrier.arrive $0xFFFF  }
0x54: {  	_ =	shalt  }

// kernel: gather_offload_async_start.4
scs
__scs_entry_jumppad:
0x0: {  	(pc) =	sbr.rel $0x88, $3  }
0x1: {  	(tag) =	ssettag $0x0;
	lr =	simm.s32 $0x1  }
0x2: {  	[smem:$0x3F98] =	sst lr;
	_ =	strace $0xD0000000  }
0x3: {  	_ = 	snop  }
0x4: {  	_ = 	snop  }
0x5: {  	_ = 	snop  }
0x6: {  	_ = 	snop  }
0x7: {  	_ = 	snop  }
__scs_overlays_trampoline_lowered:
0x8: {  	[smem:$0x3FA7] =	sst s0  }
0x9: {  	[smem:$0x3FA8] =	sst s1  }
0xa: {  	[smem:$0x3FA9] =	sst s2  }
0xb: {  	[smem:$0x3FAA] =	sst s3  }
0xc: {  	[smem:$0x3FAB] =	sst s4  }
0xd: {  	[smem:$0x3FAC] =	sst s5  }
0xe: {  	[smem:$0x3FAD] =	sst s6  }
0xf: {  	[smem:$0x3FAE] =	sst s7  }
0x10: {  	[smem:$0x3FAF] =	sst s8  }
0x11: {  	[smem:$0x3FB0] =	sst s9;
	s0 =	simm.s32 @!p0 $0x0  }
0x12: {  	s1 =	sld [smem:$0x3F96];
	s0 =	simm.s32 @p0 $0x1  }
0x13: {  	[smem:$0x3FB1] =	sst s0;
	s0 =	simm.s32 @!p1 $0x0  }
0x14: {  	s2 =	sld [smem:$0x3F95];
	s0 =	simm.s32 @p1 $0x1  }
0x15: {  	[smem:$0x3FB2] =	sst s0;
	s0 =	simm.s32 @!p2 $0x0  }
0x16: {  	s3 =	sld [smem:$0x3FDB];
	s0 =	simm.s32 @p2 $0x1  }
0x17: {  	s4 =	simm.s32 $0x1BF5;
	[smem:$0x3FB4] =	sst s0  }
0x18: {  	s0 =	sld [smem:$0x3F97];
	_ =	swait.ge [sflag:s4], $0x0  }
0x19: {  	s7 =	sld [smem:$0x3F98]  }
0x1a: {  	s8 =	sadd.s32 $0xFFFFE003, lr  }
0x1b: {  	s9 =	sadd.s32 $0xFFFFFEF7, lr;
	s5 =	simm.s32 $0xFFFFFFFF;
	p2 =	slt.u32 s8, $0xFFFFF086  }
0x1c: {  	p1 =	slt.u32 s9, $0xF7A;
	s5 =	simm.s32 @!p2 $0x0  }
0x1d: {  	s5 =	simm.s32 @p1 $0x1;
	p0 =	seq.s32 s7, s2  }
0x1e: {  	s7 =	smul.u32 @!p0 $0xF7A, s2;
	p2 =	seq.s32 @!p0 s5, $0x0  }
0x1f: {  	s9 =	smul.u32 $0xF7A, s1;
	s8 =	simm.s32 @!p0 $0x1BF5;
	p2 =	por !p2, p0  }
0x20: {  	[sflag:s8] =	ssyncset.s32 @!p0 $0xFFFFF086;
	s6 =	sadd.s32 @!p0 s3, s7;
	s7 =	simm.s32 @!p0 $0x108  }
0x21: {  	s3 =	sadd.s32 s3, s9;
	s6 =	sadd.s32 @!p0 $0x88, s6;
	s7 =	simm.s32 @p2 $0x1082  }
0x22: {  	[simem:s7], [sflag:s8] =	dma.local @!p0 [hbm:s6], $0xF7A  }
0x23: {  	s9 =	sor.u32 $0xD0000000, s2;
	s6 =	simm.s32 $0x108;
	_ =	swait.ge @!p0 [sflag:s8], $0x0  }
0x24: {  	s3 =	sadd.s32 $0x88, s3;
	s6 =	simm.s32 @!p1 $0x1082;
	[sflag:s4] =	ssyncset.s32 $0xFFFFF086  }
0x25: {  	[simem:s6], [sflag:s4] =	dma.local [hbm:s3], $0xF7A  }
0x26: {  	[smem:$0x3F98] =	sst s1;
	(tag) =	ssettag s2;
	_ =	strace s9  }
0x27: {  	s1 =	sld [smem:$0x3FA8]  }
0x28: {  	s2 =	sld [smem:$0x3FA9]  }
0x29: {  	s4 =	sld [smem:$0x3FAB]  }
0x2a: {  	p0 =	seq.s32 s5, $0x0;
	s5 =	sld [smem:$0x3FAC]  }
0x2b: {  	s6 =	sld [smem:$0x3FAD]  }
0x2c: {  	s7 =	sld [smem:$0x3FAE]  }
0x2d: {  	s3 =	simm.s32 $0x108;
	s8 =	sld [smem:$0x3FAF]  }
0x2e: {  	s3 =	simm.s32 @!p0 $0x1082;
	s9 =	sld [smem:$0x3FB0]  }
0x2f: {  	lr =	sadd.s32 s0, s3;
	s0 =	sld [smem:$0x3FA7]  }
0x30: {  	s3 =	sld [smem:$0x3FAA]  }
0x31: {  	[smem:$0x3FB3] =	sst s10  }
0x32: {  	s10 =	sld [smem:$0x3FB1];
	_ =	sdelay $0x3  }
0x33: {  	p0 =	seq.s32 s10, $0x1;
	s10 =	sld [smem:$0x3FB3];
	_ =	sdelay $0x3  }
0x34: {  	[smem:$0x3FB3] =	sst s10  }
0x35: {  	s10 =	sld [smem:$0x3FB2];
	_ =	sdelay $0x3  }
0x36: {  	p1 =	seq.s32 s10, $0x1;
	s10 =	sld [smem:$0x3FB3];
	_ =	sdelay $0x3  }
0x37: {  	[smem:$0x3FB3] =	sst s10  }
0x38: {  	s10 =	sld [smem:$0x3FB4]  }
0x39: {  	_ = 	snop;
	(pc) =	sbr.ind lr, $3  }
0x3a: {  	_ = 	snop  }
0x3b: {  	_ = 	snop  }
0x3c: {  	p2 =	seq.s32 s10, $0x1;
	s10 =	sld [smem:$0x3FB3]  }
0x3d: {  	_ =	shalt  }
0x3e: {  	_ =	shalt  }
0x3f: {  	_ =	shalt  }
0x40: {  	_ =	shalt  }
0x41: {  	_ =	shalt  }
0x42: {  	_ =	shalt  }
0x43: {  	_ =	shalt  }
0x44: {  	_ =	shalt  }
0x45: {  	_ =	shalt  }
0x46: {  	_ =	shalt  }
0x47: {  	_ =	shalt  }
0x48: {  	_ =	shalt  }
0x49: {  	_ =	shalt  }
0x4a: {  	_ =	shalt  }
0x4b: {  	_ =	shalt  }
0x4c: {  	_ =	shalt  }
0x4d: {  	_ =	shalt  }
0x4e: {  	_ =	shalt  }
0x4f: {  	_ =	shalt  }
0x50: {  	_ =	shalt  }
0x51: {  	_ =	shalt  }
0x52: {  	_ =	shalt  }
0x53: {  	_ =	shalt  }
0x54: {  	_ =	shalt  }
0x55: {  	_ =	shalt  }
0x56: {  	_ =	shalt  }
0x57: {  	_ =	shalt  }
0x58: {  	_ =	shalt  }
0x59: {  	_ =	shalt  }
0x5a: {  	_ =	shalt  }
0x5b: {  	_ =	shalt  }
0x5c: {  	_ =	shalt  }
0x5d: {  	_ =	shalt  }
0x5e: {  	_ =	shalt  }
0x5f: {  	_ =	shalt  }
0x60: {  	_ =	shalt  }
0x61: {  	_ =	shalt  }
0x62: {  	_ =	shalt  }
0x63: {  	_ =	shalt  }
0x64: {  	_ =	shalt  }
0x65: {  	_ =	shalt  }
0x66: {  	_ =	shalt  }
0x67: {  	_ =	shalt  }
0x68: {  	_ =	shalt  }
0x69: {  	_ =	shalt  }
0x6a: {  	_ =	shalt  }
0x6b: {  	_ =	shalt  }
0x6c: {  	_ =	shalt  }
0x6d: {  	_ =	shalt  }
0x6e: {  	_ =	shalt  }
0x6f: {  	_ =	shalt  }
0x70: {  	_ =	shalt  }
0x71: {  	_ =	shalt  }
0x72: {  	_ =	shalt  }
0x73: {  	_ =	shalt  }
0x74: {  	_ =	shalt  }
0x75: {  	_ =	shalt  }
0x76: {  	_ =	shalt  }
0x77: {  	_ =	shalt  }
0x78: {  	_ =	shalt  }
0x79: {  	_ =	shalt  }
0x7a: {  	_ =	shalt  }
0x7b: {  	_ =	shalt  }
0x7c: {  	_ =	shalt  }
0x7d: {  	_ =	shalt  }
0x7e: {  	_ =	shalt  }
0x7f: {  	_ =	shalt  }
0x80: {  	_ =	shalt  }
0x81: {  	_ =	shalt  }
0x82: {  	_ =	shalt  }
0x83: {  	_ =	shalt  }
0x84: {  	_ =	shalt  }
0x85: {  	_ =	shalt  }
0x86: {  	_ =	shalt  }
0x87: {  	_ =	shalt  }
.Lfunc_end0:
.L_simem_size_0:
called_computation.4_lowered:
.L_overlay_start_0:
0x88: {  	s2 =	sld [smem:$0x3FD9]  }
0x89: {  	s3 =	sld [smem:$0x3FFE];
	_ =	sdelay $0x1  }
0x8a: {  	s1 =	srdreg.scid  }
0x8b: {  	s0 =	sand.u32 $0x1, s1  }
0x8c: {  	s17 =	sshll.u32 s0, $0xA;
	s2 =	sadd.s32 s3, s2  }
0x8d: {  	s2 =	sadd.s32 s2, s17  }
0x8e: {  	[smem:$0x3FBF] =	sst s2  }
0x8f: {  	_ = 	snop  }
0x90: {  	(tm) =	ssettm $0x1  }
0x91: {  	s18 =	sld [smem:$0x3FFB];
	_ =	sdelay $0x3  }
0x92: {  	_ =	strace s18  }
0x93: {  	s2 =	sld [smem:$0x3FFC];
	_ =	sdelay $0x3  }
0x94: {  	_ =	strace s2  }
0x95: {  	s2 =	sld [smem:$0x3FFD];
	_ =	sdelay $0x3  }
0x96: {  	_ =	strace s2  }
0x97: {  	_ =	strace $0x8FFFFFFF  }
0x98: {  	s19 =	sld [smem:$0x3FDB];
	_ =	sdelay $0x1  }
0x99: {  	s20 =	simm.s32 $_scs_section_size  }
0x9a: {  	s4 =	simm.s32 $_size__tile_overlayer_lowered;
	s5 =	simm.s32 $_tile_overlayer_lowered  }
0x9b: {  	s6 =	simm.s32 $0x1BFF;
	s21 =	sshll.u32 s5, $0x1;
	s3 =	sadd.s32 s20, s19  }
0x9c: {  	s22 =	simm.s32 $0x0;
	s4 =	sshll.u32 s4, $0x1;
	s5 =	sadd.s32 s21, s3  }
0x9d: {  	[timem:s22], [sflag:s6] =	dma.local [hbm:s5], s4  }
0x9e: {  	_ =	swait.ge [sflag:s6], s4  }
0x9f: {  	s4 =	ssub.s32 $0x0, s4;
	[sflag:s6] =	ssyncset.done $0x0  }
0xa0: {  	[sflag:s6] =	ssyncadd.s32 s4;
	_ =	sdelay $0x1  }
0xa1: {  	s23 =	simm.s32 $0x1B8B  }
0xa2: {  	_ =	swait.ge [sflag:s23], $0x1  }
0xa3: {  	[sflag:s23] =	ssyncset.done $0x0  }
0xa4: {  	[sflag:s23] =	ssyncadd.s32 $0xFFFFFFFF  }
0xa5: {  	s4 =	sld [smem:$0x0]  }
0xa6: {  	s5 =	sand.u32 $0xFFFFFFFE, s1  }
0xa7: {  	p0 =	sne.s32 s1, s5  }
0xa8: {  	s5 =	sshll.u32 @p0 s5, $0xE  }
0xa9: {  	s5 =	sadd.s32 @p0 $0x11B8D, s5;
	s6 =	sshll.u32 @p0 s4, $0x11  }
0xaa: {  	s5 =	sor.u32 @p0 s6, s5  }
0xab: {  	[sflag:s5] =	ssyncadd.remote.s32 @p0 $0x1;
	_ =	sdelay $0x1  }
0xac: {  	s5 =	simm.s32 @p0 $0x1B8D  }
0xad: {  	_ =	swait.eq @p0 [sflag:s5], $0x1  }
0xae: {  	[sflag:s5] =	ssyncadd.s32 @p0 $0xFFFFFFFF  }
0xaf: {  	s6 =	sshll.u32 @!p0 s1, $0xE  }
0xb0: {  	s6 =	sor.u32 @!p0 $0x4000, s6;
	s5 =	simm.s32 @!p0 $0x1B8D  }
0xb1: {  	s4 =	sshll.u32 @!p0 s4, $0x11;
	s6 =	sadd.s32 @!p0 $0x11B8D, s6;
	_ =	swait.eq @!p0 [sflag:s5], $0x1  }
0xb2: {  	s4 =	sor.u32 @!p0 s4, s6;
	[sflag:s5] =	ssyncadd.s32 @!p0 $0xFFFFFFFF  }
0xb3: {  	s25 =	simm.s32 $0x1B8E;
	s24 =	sld [smem:$0x3FFE];
	[sflag:s4] =	ssyncadd.remote.s32 @!p0 $0x1  }
0xb4: {  	s26 =	simm.s32 $execute0_lowered;
	[smem:$0x3FD2] =	sst s25  }
0xb5: {  	s5 =	sshll.u32 s26, $0x1;
	_ =	strace $0x80000049;
	[dreg:$0x1] =	wrdreg $0xFFFFFFFF  }
0xb6: {  	s28 =	simm.s32 $_size_execute0_lowered;
	s3 =	sadd.s32 s3, s5;
	[dreg:$0x0] =	wrdreg $0x0  }
0xb7: {  	s5 =	sshll.u32 s28, $0x1;
	[dreg:$0x2] =	wrdreg s3  }
0xb8: {  	[dreg:$0x3] =	wrdreg s5  }
0xb9: {  	[dreg:$0x4] =	wrdreg $0xC0  }
0xba: {  	_ =	task [dreg:s22], $0x5FFFF  }
0xbb: {  	[dreg:$0x1] =	wrdreg $0xFFFFFFFF  }
0xbc: {  	[dreg:$0x0] =	wrdreg $0x60  }
0xbd: {  	[dreg:$0x2] =	wrdreg s24  }
0xbe: {  	[dreg:$0x3] =	wrdreg $0x9  }
0xbf: {  	_ =	task.clear_ibuf [dreg:s22], $0x4FFFF;
	_ =	strace $0x90000049  }
0xc0: {  	s29 =	simm.s32 $0x9;
	_ =	strace $0x8000004B  }
0xc1: {  	_ =	swait.ge [sflag:s29], $0x1  }
0xc2: {  	[sflag:s29] =	ssyncadd.s32 $0xFFFFFFFF  }
0xc3: {  	_ =	strace $0x9000004B  }
0xc4: {  	_ =	sfence  }
0xc5: {  	s30 =	sld [smem:$0x0];
	_ =	sdelay $0x2  }
0xc6: {  	s31 =	sshll.u32 s1, $0xD;
	s1 =	sshrl.u32 s1, $0x2  }
0xc7: {  	s4 =	sand.u32 $0x4000, s31;
	s1 =	sadd.s32 s1, s30  }
0xc8: {  	s0 =	sor.u32 s4, s0;
	s1 =	sshll.u32 s1, $0x11  }
0xc9: {  	s0 =	sor.u32 s1, s0  }
0xca: {  	s0 =	sadd.s32 $0x8F2B, s0  }
0xcb: {  	[sflag:s0] =	ssyncadd.remote.s32 $0x1  }
0xcc: {  	_ =	sfence.sel $0xFFFF  }
0xcd: {  	[dreg:$0x0] =	wrdreg $0xFFFFFFFF;
	(pc) =	sbr.abs _section_cstart, $3  }
0xce: {  	[dreg:$0x1] =	wrdreg $0xFFFFFFFF  }
0xcf: {  	_ =	task.clear_ibuf [dreg:s22], $0x2FFFF;
	_ =	strace $0x9FFFFFFF  }
0xd0: {  	(tm) =	ssettm $0x7FFFFFFF  }
0xd1: {  	_ =	shalt  }
tec
execute0_lowered:
.L_overlay_start_1:
0x0: {  	(tag) =	ssettag $0x1  }
0x1: {  	s8 =	rddreg [dreg:$0x0]  }
0x2: {  	s0 =	rddreg [dreg:$0x1];
	_ =	strace $0x8000004A;
	s1 =	stileid.u32  }
0x3: {  	s3 =	srdreg.scid;
	s4 =	simm.s32 $0x1;
	s7 =	simm.s32 $0x1  }
0x4: {  	s9 =	simm.s32 $0x1;
	s10 =	simm.s32 $0x3;
	s13 =	simm.s32 $0x0  }
0x5: {  	s12 =	simm.s32 $0x0;
	s5 =	sand.u32 $0x1, s3;
	s6 =	sshll.u32 s1, $0x1  }
0x6: {  	s2 =	sadd.s32 $0x3200, s8;
	s3 =	sadd.s32 $0x6400, s8;
	s5 =	sor.u32 s6, s5  }
.Ltmp0:
0x7: {  	[sflag:s4] =	ssyncpa.u1 $0x0;
	p0 =	slt.u32 s5, $0x13;
	(pc) =	sbr.rel .LBB2_1-.Ltmp0, $4  }
0x8: {  	s6 =	simm.s32 $0x2;
	s7 =	simm.s32 @!p0 $0x0;
	p0 =	sne.s32 s5, $0x12  }
0x9: {  	[sflag:s6] =	ssyncpa.u1 $0x0;
	s5 =	smul.u32 $0x190, s5;
	s9 =	simm.s32 @!p0 $0x0  }
0xa: {  	s8 =	sadd.s32 $0xA5400, s8;
	[sflag:s10] =	ssyncpa.u1 $0x0;
	s7 =	sadd.s32 s9, s7  }
0xb: {  	vm0 =	vmmov $0xffff;
	s10 =	simm.s32 $0x0;
	s11 =	smov.u32 s5;
	s9 =	sadd.s32 $0x1, s7  }
.LBB2_4:
0xc: {  	vm2 =	veq.s32 v2, $0x80000000;
	v4 =	vand.u32 $0x3, v4;
	v5 =	vor.u32 v6, v5  }
0xd: {  	v1 =	vand.u32 $0x7FFF, v1;
	v7 =	vshrl.u32 v2, $0xF;
	v56 =	vand.u32 $0x7FFF, v2  }
0xe: {  	v4 =	vsel vm1, $0xFFFFFFFF, v4;
	v3 =	vor.u32 v3, v5;
	v1 =	vsel vm1, $0xFFFFFFFF, v1  }
0xf: {  	vm1 =	vmmov vm2;
	v7 =	vand.u32 $0x3, v7;
	v54 =	vshrl.u32 v4, $0x2  }
0x10: {  	v4 =	vshll.u32 v4, $0x7;
	v55 =	vshll.u32 v1, $0x2;
	v57 =	vsel vm1, $0xFFFFFFFF, v7  }
0x11: {  	v2 =	vsel vm1, $0xFFFFFFFF, v56;
	v1 =	vand.u32 $0x7F, v1;
	v5 =	vmul.u32 $0x13A00, v54  }
0x12: {  	v6 =	vand.u32 $0xFFFFFE00, v55;
	v4 =	vand.u32 $0x180, v4;
	v7 =	vshrl.u32 v57, $0x2  }
0x13: {  	v59 =	vshll.u32 v2, $0x2;
	v58 =	vmul.u32 $0x13A00, v7;
	v5 =	vadd.s32 v6, v5  }
0x14: {  	v7 =	vand.u32 $0xFFFFFE00, v59;
	v6 =	vshll.u32 v57, $0x7;
	v4 =	vor.u32 v4, v5  }
0x15: {  	v60 =	vadd.s32 v7, v58;
	v61 =	vand.u32 $0x180, v6;
	v1 =	vor.u32 v1, v4  }
0x16: {  	[tilespmem:s16], [sflag:$0x1] =	stream.indirect_vreg.gather [hbm4b:s2+s10], $0x1, v0, vm0, $0x4038;
	v62 =	vand.u32 $0x7F, v2;
	v63 =	vor.u32 v61, v60;
	[tilespmem:$0x640] =	vst v63  }
0x17: {  	(ifvalue) =	ssetifvalue $0x7FFFFFFF;
	v0 =	vor.u32 v62, v63  }
0x18: {  	[tilespmem:s15], [sflag:$0x1] =	stream.indirect_vreg.gather [hbm4b:s2+s10], $0x1, v3, vm0, $0x4038;
	[tilespmem:$0x640] =	vst v63  }
0x19: {  	s29 =	sadd.s32 $0x10, s15;
	(ifvalue) =	ssetifvalue $0x7FFFFFFF  }
0x1a: {  	[tilespmem:s29], [sflag:$0x1] =	stream.indirect_vreg.gather [hbm4b:s2+s10], $0x1, v1, vm0, $0x4038;
	[tilespmem:$0x640] =	vst v63  }
0x1b: {  	s15 =	sadd.s32 $0x10, s29;
	(ifvalue) =	ssetifvalue $0x7FFFFFFF  }
0x1c: {  	[tilespmem:s15], [sflag:$0x1] =	stream.indirect_vreg.gather [hbm4b:s2+s10], $0x1, v0, vm0, $0x4038;
	[tilespmem:$0x640] =	vst v63  }
0x1d: {  	_ =	swait.ge [sflag:s4], $0x190  }
0x1e: {  	s30 =	sshrl.u32 s13, $0x3;
	[sflag:s4] =	ssyncset.done $0x0  }
0x1f: {  	s31 =	sand.u32 $0x7, s13;
	s15 =	sadd.s32 s8, s30;
	[sflag:s4] =	ssyncadd.s32 $0xFFFFFE70  }
0x20: {  	[hbm4b:s15+s31] =	stream.linear.scatter [tilespmem:s14], [sflag:$0x3], $0x190, $0x38;
	[tilespmem:$0x640] =	vst v63  }
.LBB2_5:
0x21: {  	s15 =	sadd.s32 $0x3200, s11  }
0x22: {  	p1 =	sgt.s32 s15, $0x4E1F  }
0x23: {  	s15 =	smov.u32 @p1 s5;
	p1 =	sne.s32 s12, s9  }
.Ltmp1:
0x24: {  	p0 =	slt.u32 s12, $0x2;
	(pc) =	sbr.rel @!p1 .LBB2_6-.Ltmp1, $4  }
0x25: {  	s14 =	simm.s32 @!p0 $0x3  }
0x26: {  	_ =	swait.ge @!p0 [sflag:s14], $0x190  }
0x27: {  	s16 =	sadd.s32 $0x1, s12;
	s13 =	smov.u32 s11;
	[sflag:s14] =	ssyncset.done @!p0 $0x0  }
0x28: {  	s12 =	smov.u32 s16;
	s11 =	smov.u32 s15;
	[sflag:s14] =	ssyncadd.s32 @!p0 $0xFFFFFE70  }
.LBB2_1:
0x29: {  	p0 =	sge.u32 s12, s7  }
0x2a: {  	s14 =	sxor.u32 @!p0 $0x1, s12  }
0x2b: {  	s14 =	smul.u32 @!p0 $0x640, s14  }
0x2c: {  	s31 =	sadd.s32 $0xFFFFFFFF, s12;
	s15 =	sshrl.u32 @!p0 s11, $0x3  }
0x2d: {  	s16 =	sand.u32 @!p0 $0x7, s11;
	s15 =	sadd.s32 @!p0 s3, s15;
	s14 =	sshra.s32 @!p0 s14, $0x2  }
0x2e: {  	[tilespmem:s14], [sflag:$0x2] =	stream.linear.gather @!p0 [hbm4b:s15+s16], $0x190, $0x38;
	[tilespmem:$0x640] =	vst v63  }
0x2f: {  	p0 =	sge.u32 s31, s7  }
.Ltmp2:
0x30: {  	_ = 	snop;
	(pc) =	sbr.rel @p0 .LBB2_5-.Ltmp2, $1  }
0x31: {  	_ =	sdelay $0x3  }
0x32: {  	s14 =	sand.u32 $0x1, s12  }
0x33: {  	_ =	swait.ge [sflag:s6], $0x190;
	p0 =	seq.s32 s14, $0x1;
	s14 =	simm.s32 $0x190  }
0x34: {  	[sflag:s6] =	ssyncset.done $0x0;
	s14 =	simm.s32 @!p0 $0x0  }
0x35: {  	[sflag:s6] =	ssyncadd.s32 $0xFFFFFE70;
	(ifvalue) =	ssetifvalue $0x7FFFFFFF;
	v0 =	vld.msk [tilespmem:s14+$0x0 ss:$0x1], $0xffff;
	_ =	sdelay $0x2  }
0x36: {  	s15 =	sadd.s32 $0x10, s14  }
0x37: {  	v2 =	vld.msk [tilespmem:s15+$0x0 ss:$0x1], $0xffff  }
0x38: {  	vm1 =	veq.s32 v0, $0x80000000;
	v1 =	vshrl.u32 v0, $0xF  }
0x39: {  	vm1 =	vmmov vm1;
	v3 =	vand.u32 $0x3, v1  }
0x3a: {  	v0 =	vand.u32 $0x7FFF, v0;
	v3 =	vsel vm1, $0xFFFFFFFF, v3  }
0x3b: {  	s15 =	sadd.s32 $0x10, s15;
	v0 =	vsel vm1, $0xFFFFFFFF, v0;
	v4 =	vshrl.u32 v3, $0x2  }
0x3c: {  	v1 =	vld.msk [tilespmem:s15+$0x0 ss:$0x1], $0xffff;
	v6 =	vshrl.u32 v2, $0xF;
	v5 =	vshll.u32 v0, $0x2;
	v4 =	vmul.u32 $0x13A00, v4  }
0x3d: {  	vm1 =	veq.s32 v2, $0x80000000;
	v3 =	vshll.u32 v3, $0x7;
	v5 =	vand.u32 $0xFFFFFE00, v5  }
0x3e: {  	v0 =	vand.u32 $0x7F, v0;
	v3 =	vand.u32 $0x180, v3;
	v4 =	vadd.s32 v5, v4  }
0x3f: {  	vm1 =	vmmov vm1;
	v5 =	vand.u32 $0x3, v6;
	v3 =	vor.u32 v3, v4  }
0x40: {  	v2 =	vand.u32 $0x7FFF, v2;
	v4 =	vsel vm1, $0xFFFFFFFF, v5;
	v0 =	vor.u32 v0, v3  }
0x41: {  	s15 =	sadd.s32 $0x10, s15;
	vm2 =	veq.s32 v1, $0x80000000;
	v3 =	vsel vm1, $0xFFFFFFFF, v2;
	v2 =	vshrl.u32 v4, $0x2  }
0x42: {  	s14 =	sadd.s32 $0x320, s14;
	v6 =	vshll.u32 v4, $0x7;
	v5 =	vmul.u32 $0x13A00, v2;
	v4 =	vshll.u32 v3, $0x2;
	v2 =	vld.msk [tilespmem:s15+$0x0 ss:$0x1], $0xffff  }
0x43: {  	s17 =	simm.s32 $0x30;
	s16 =	smov.u32 s14;
	vm1 =	vmmov vm2;
	v3 =	vand.u32 $0x7F, v3;
	v7 =	vand.u32 $0xFFFFFE00, v4  }
0x44: {  	s18 =	sadd.s32 $0x10, s15;
	v6 =	vand.u32 $0x180, v6;
	(ifvalue) =	ssetifvalue $0x7FFFFFFF;
	s15 =	sadd.s32 $0x10, s14;
	v4 =	vshrl.u32 v1, $0xF;
	v5 =	vadd.s32 v7, v5  }
.LBB2_3:
0x45: {  	[tilespmem:s16], [sflag:$0x1] =	stream.indirect_vreg.gather [hbm4b:s2+s10], $0x1, v0, vm0, $0x4038;
	[tilespmem:$0x640] =	vst v63  }
0x46: {  	s17 =	sadd.s32 $0x10, s17  }
0x47: {  	vm2 =	veq.s32 v2, $0x80000000;
	v4 =	vand.u32 $0x3, v4;
	v5 =	vor.u32 v6, v5;
	v6 =	vmovc v2;
	v2 =	vld.msk [tilespmem:s18+$0x0 ss:$0x1], $0xffff;
	p0 =	slt.u32 s17, $0x180  }
.Ltmp3:
0x48: {  	v7 =	vand.u32 $0x7FFF, v1;
	s16 =	smov.u32 s15;
	v4 =	vsel vm1, $0xFFFFFFFF, v4;
	v0 =	vor.u32 v3, v5;
	v1 =	vmovc v6;
	(pc) =	sbr.rel @p0 .LBB2_3-.Ltmp3, $4  }
0x49: {  	v5 =	vsel vm1, $0xFFFFFFFF, v7;
	v6 =	vshrl.u32 v4, $0x2;
	v7 =	vshll.u32 v4, $0x7  }
0x4a: {  	v3 =	vand.u32 $0x7F, v5;
	v4 =	vshll.u32 v5, $0x2;
	v6 =	vmul.u32 $0x13A00, v6  }
0x4b: {  	vm1 =	vmmov vm2;
	v5 =	vand.u32 $0xFFFFFE00, v4  }
0x4c: {  	s18 =	sadd.s32 $0x10, s18;
	s15 =	sadd.s32 $0x10, s15;
	v4 =	vshrl.u32 v1, $0xF;
	v5 =	vadd.s32 v5, v6;
	v6 =	vand.u32 $0x180, v7;
	(ifvalue) =	ssetifvalue $0x7FFFFFFF  }
.Ltmp4:
0x4d: {  	_ = 	snop;
	(pc) =	sbr.rel .LBB2_4-.Ltmp4, $1  }
0x4e: {  	_ =	sdelay $0x3  }
.LBB2_6:
0x4f: {  	_ =	sfence.sel $0x180000  }
0x50: {  	s2 =	simm.s32 $0x2;
	[bflag:$0x0] =	sbarrier.arrive $0xFFFF  }
0x51: {  	s30 =	simm.s32 $0x3;
	[sflag:s2] =	ssyncpa.u1 $0x1  }
0x52: {  	s31 =	simm.s32 $0x1;
	[sflag:s30] =	ssyncpa.u1 $0x1  }
0x53: {  	[sflag:s31] =	ssyncpa.u1 $0x1  }
0x54: {  	p0 =	sne.s32 s1, $0x0;
	_ =	strace $0x9000004A  }
0x55: {  	s0 =	sadd.s32 @!p0 $0x100000, s0;
	[bflag:$0x2] =	sbarrier.arrive $0xFFFF  }
0x56: {  	[sflag:s0] =	ssyncadd.tile.s32 @!p0 $0x1;
	_ =	shalt  }
.Lfunc_end2:
_tile_overlayer_lowered:
.L_overlay_start_2:
0x57: {  	(tag) =	ssettag $0x2  }
0x58: {  	s0 =	rddreg [dreg:$0x0];
	s2 =	stileid.u32  }
0x59: {  	s1 =	rddreg [dreg:$0x1];
	p0 =	sne.s32 s2, $0x0  }
0x5a: {  	s3 =	rddreg [dreg:$0x2];
	[bflag:$0x3] =	sbarrier.arrive $0xFFFF;
	s2 =	simm.s32 @!p0 $0x1C01  }
0x5b: {  	[timem:s3], [sflag:s2] =	dma.local @!p0 [hbm:s0], s1  }
0x5c: {  	s0 =	simm.s32 @!p0 $0x1  }
0x5d: {  	_ =	swait.ge @!p0 [sflag:s0], s1  }
0x5e: {  	s1 =	ssub.s32 @!p0 $0x0, s1;
	[sflag:s0] =	ssyncset.done @!p0 $0x0  }
0x5f: {  	[sflag:s0] =	ssyncadd.s32 @!p0 s1  }
0x60: {  	[bflag:$0x3] =	sbarrier.arrive $0xFFFF  }
0x61: {  	_ =	shalt  }

// kernel: gather_offload_async_start.5
scs
__scs_entry_jumppad:
0x0: {  	(pc) =	sbr.rel $0x88, $3  }
0x1: {  	(tag) =	ssettag $0x0;
	lr =	simm.s32 $0x1  }
0x2: {  	[smem:$0x3F98] =	sst lr;
	_ =	strace $0xD0000000  }
0x3: {  	_ = 	snop  }
0x4: {  	_ = 	snop  }
0x5: {  	_ = 	snop  }
0x6: {  	_ = 	snop  }
0x7: {  	_ = 	snop  }
__scs_overlays_trampoline_lowered:
0x8: {  	[smem:$0x3FA7] =	sst s0  }
0x9: {  	[smem:$0x3FA8] =	sst s1  }
0xa: {  	[smem:$0x3FA9] =	sst s2  }
0xb: {  	[smem:$0x3FAA] =	sst s3  }
0xc: {  	[smem:$0x3FAB] =	sst s4  }
0xd: {  	[smem:$0x3FAC] =	sst s5  }
0xe: {  	[smem:$0x3FAD] =	sst s6  }
0xf: {  	[smem:$0x3FAE] =	sst s7  }
0x10: {  	[smem:$0x3FAF] =	sst s8  }
0x11: {  	[smem:$0x3FB0] =	sst s9;
	s0 =	simm.s32 @!p0 $0x0  }
0x12: {  	s1 =	sld [smem:$0x3F96];
	s0 =	simm.s32 @p0 $0x1  }
0x13: {  	[smem:$0x3FB1] =	sst s0;
	s0 =	simm.s32 @!p1 $0x0  }
0x14: {  	s2 =	sld [smem:$0x3F95];
	s0 =	simm.s32 @p1 $0x1  }
0x15: {  	[smem:$0x3FB2] =	sst s0;
	s0 =	simm.s32 @!p2 $0x0  }
0x16: {  	s3 =	sld [smem:$0x3FDB];
	s0 =	simm.s32 @p2 $0x1  }
0x17: {  	s4 =	simm.s32 $0x1BF5;
	[smem:$0x3FB4] =	sst s0  }
0x18: {  	s0 =	sld [smem:$0x3F97];
	_ =	swait.ge [sflag:s4], $0x0  }
0x19: {  	s7 =	sld [smem:$0x3F98]  }
0x1a: {  	s8 =	sadd.s32 $0xFFFFE003, lr  }
0x1b: {  	s9 =	sadd.s32 $0xFFFFFEF7, lr;
	s5 =	simm.s32 $0xFFFFFFFF;
	p2 =	slt.u32 s8, $0xFFFFF086  }
0x1c: {  	p1 =	slt.u32 s9, $0xF7A;
	s5 =	simm.s32 @!p2 $0x0  }
0x1d: {  	s5 =	simm.s32 @p1 $0x1;
	p0 =	seq.s32 s7, s2  }
0x1e: {  	s7 =	smul.u32 @!p0 $0xF7A, s2;
	p2 =	seq.s32 @!p0 s5, $0x0  }
0x1f: {  	s9 =	smul.u32 $0xF7A, s1;
	s8 =	simm.s32 @!p0 $0x1BF5;
	p2 =	por !p2, p0  }
0x20: {  	[sflag:s8] =	ssyncset.s32 @!p0 $0xFFFFF086;
	s6 =	sadd.s32 @!p0 s3, s7;
	s7 =	simm.s32 @!p0 $0x108  }
0x21: {  	s3 =	sadd.s32 s3, s9;
	s6 =	sadd.s32 @!p0 $0x88, s6;
	s7 =	simm.s32 @p2 $0x1082  }
0x22: {  	[simem:s7], [sflag:s8] =	dma.local @!p0 [hbm:s6], $0xF7A  }
0x23: {  	s9 =	sor.u32 $0xD0000000, s2;
	s6 =	simm.s32 $0x108;
	_ =	swait.ge @!p0 [sflag:s8], $0x0  }
0x24: {  	s3 =	sadd.s32 $0x88, s3;
	s6 =	simm.s32 @!p1 $0x1082;
	[sflag:s4] =	ssyncset.s32 $0xFFFFF086  }
0x25: {  	[simem:s6], [sflag:s4] =	dma.local [hbm:s3], $0xF7A  }
0x26: {  	[smem:$0x3F98] =	sst s1;
	(tag) =	ssettag s2;
	_ =	strace s9  }
0x27: {  	s1 =	sld [smem:$0x3FA8]  }
0x28: {  	s2 =	sld [smem:$0x3FA9]  }
0x29: {  	s4 =	sld [smem:$0x3FAB]  }
0x2a: {  	p0 =	seq.s32 s5, $0x0;
	s5 =	sld [smem:$0x3FAC]  }
0x2b: {  	s6 =	sld [smem:$0x3FAD]  }
0x2c: {  	s7 =	sld [smem:$0x3FAE]  }
0x2d: {  	s3 =	simm.s32 $0x108;
	s8 =	sld [smem:$0x3FAF]  }
0x2e: {  	s3 =	simm.s32 @!p0 $0x1082;
	s9 =	sld [smem:$0x3FB0]  }
0x2f: {  	lr =	sadd.s32 s0, s3;
	s0 =	sld [smem:$0x3FA7]  }
0x30: {  	s3 =	sld [smem:$0x3FAA]  }
0x31: {  	[smem:$0x3FB3] =	sst s10  }
0x32: {  	s10 =	sld [smem:$0x3FB1];
	_ =	sdelay $0x3  }
0x33: {  	p0 =	seq.s32 s10, $0x1;
	s10 =	sld [smem:$0x3FB3];
	_ =	sdelay $0x3  }
0x34: {  	[smem:$0x3FB3] =	sst s10  }
0x35: {  	s10 =	sld [smem:$0x3FB2];
	_ =	sdelay $0x3  }
0x36: {  	p1 =	seq.s32 s10, $0x1;
	s10 =	sld [smem:$0x3FB3];
	_ =	sdelay $0x3  }
0x37: {  	[smem:$0x3FB3] =	sst s10  }
0x38: {  	s10 =	sld [smem:$0x3FB4]  }
0x39: {  	_ = 	snop;
	(pc) =	sbr.ind lr, $3  }
0x3a: {  	_ = 	snop  }
0x3b: {  	_ = 	snop  }
0x3c: {  	p2 =	seq.s32 s10, $0x1;
	s10 =	sld [smem:$0x3FB3]  }
0x3d: {  	_ =	shalt  }
0x3e: {  	_ =	shalt  }
0x3f: {  	_ =	shalt  }
0x40: {  	_ =	shalt  }
0x41: {  	_ =	shalt  }
0x42: {  	_ =	shalt  }
0x43: {  	_ =	shalt  }
0x44: {  	_ =	shalt  }
0x45: {  	_ =	shalt  }
0x46: {  	_ =	shalt  }
0x47: {  	_ =	shalt  }
0x48: {  	_ =	shalt  }
0x49: {  	_ =	shalt  }
0x4a: {  	_ =	shalt  }
0x4b: {  	_ =	shalt  }
0x4c: {  	_ =	shalt  }
0x4d: {  	_ =	shalt  }
0x4e: {  	_ =	shalt  }
0x4f: {  	_ =	shalt  }
0x50: {  	_ =	shalt  }
0x51: {  	_ =	shalt  }
0x52: {  	_ =	shalt  }
0x53: {  	_ =	shalt  }
0x54: {  	_ =	shalt  }
0x55: {  	_ =	shalt  }
0x56: {  	_ =	shalt  }
0x57: {  	_ =	shalt  }
0x58: {  	_ =	shalt  }
0x59: {  	_ =	shalt  }
0x5a: {  	_ =	shalt  }
0x5b: {  	_ =	shalt  }
0x5c: {  	_ =	shalt  }
0x5d: {  	_ =	shalt  }
0x5e: {  	_ =	shalt  }
0x5f: {  	_ =	shalt  }
0x60: {  	_ =	shalt  }
0x61: {  	_ =	shalt  }
0x62: {  	_ =	shalt  }
0x63: {  	_ =	shalt  }
0x64: {  	_ =	shalt  }
0x65: {  	_ =	shalt  }
0x66: {  	_ =	shalt  }
0x67: {  	_ =	shalt  }
0x68: {  	_ =	shalt  }
0x69: {  	_ =	shalt  }
0x6a: {  	_ =	shalt  }
0x6b: {  	_ =	shalt  }
0x6c: {  	_ =	shalt  }
0x6d: {  	_ =	shalt  }
0x6e: {  	_ =	shalt  }
0x6f: {  	_ =	shalt  }
0x70: {  	_ =	shalt  }
0x71: {  	_ =	shalt  }
0x72: {  	_ =	shalt  }
0x73: {  	_ =	shalt  }
0x74: {  	_ =	shalt  }
0x75: {  	_ =	shalt  }
0x76: {  	_ =	shalt  }
0x77: {  	_ =	shalt  }
0x78: {  	_ =	shalt  }
0x79: {  	_ =	shalt  }
0x7a: {  	_ =	shalt  }
0x7b: {  	_ =	shalt  }
0x7c: {  	_ =	shalt  }
0x7d: {  	_ =	shalt  }
0x7e: {  	_ =	shalt  }
0x7f: {  	_ =	shalt  }
0x80: {  	_ =	shalt  }
0x81: {  	_ =	shalt  }
0x82: {  	_ =	shalt  }
0x83: {  	_ =	shalt  }
0x84: {  	_ =	shalt  }
0x85: {  	_ =	shalt  }
0x86: {  	_ =	shalt  }
0x87: {  	_ =	shalt  }
.Lfunc_end0:
.L_simem_size_0:
called_computation.5_lowered:
.L_overlay_start_0:
0x88: {  	s2 =	sld [smem:$0x3FD9]  }
0x89: {  	s3 =	sld [smem:$0x3FFE];
	_ =	sdelay $0x1  }
0x8a: {  	s1 =	srdreg.scid  }
0x8b: {  	s0 =	sand.u32 $0x1, s1  }
0x8c: {  	s17 =	sshll.u32 s0, $0xA;
	s2 =	sadd.s32 s3, s2  }
0x8d: {  	s2 =	sadd.s32 s2, s17  }
0x8e: {  	[smem:$0x3FBF] =	sst s2  }
0x8f: {  	_ = 	snop  }
0x90: {  	s2 =	sld [smem:$0x3FD0];
	(tm) =	ssettm $0x1  }
0x91: {  	s18 =	sld [smem:$0x3FFB];
	_ =	sdelay $0x3  }
0x92: {  	_ =	strace s18  }
0x93: {  	s3 =	sld [smem:$0x3FFC];
	_ =	sdelay $0x3  }
0x94: {  	_ =	strace s3  }
0x95: {  	s3 =	sld [smem:$0x3FFD];
	_ =	sdelay $0x3  }
0x96: {  	_ =	strace s3  }
0x97: {  	_ =	strace $0x8FFFFFFF  }
0x98: {  	s19 =	sld [smem:$0x3FDB];
	_ =	sdelay $0x1  }
0x99: {  	s4 =	simm.s32 $_scs_section_size  }
0x9a: {  	s5 =	simm.s32 $_size__tile_overlayer_lowered;
	s6 =	simm.s32 $_tile_overlayer_lowered  }
0x9b: {  	s22 =	simm.s32 $0x1BFF;
	s21 =	sshll.u32 s6, $0x1;
	s3 =	sadd.s32 s4, s19  }
0x9c: {  	s7 =	simm.s32 $0x0;
	s20 =	sshll.u32 s5, $0x1;
	s5 =	sadd.s32 s21, s3  }
0x9d: {  	[timem:s7], [sflag:s22] =	dma.local [hbm:s5], s20  }
0x9e: {  	_ =	swait.ge [sflag:s22], s20  }
0x9f: {  	s4 =	ssub.s32 $0x0, s20;
	[sflag:s22] =	ssyncset.done $0x0  }
0xa0: {  	[sflag:s22] =	ssyncadd.s32 s4;
	_ =	sdelay $0x1  }
0xa1: {  	s23 =	simm.s32 $0x1B8B  }
0xa2: {  	_ =	swait.ge [sflag:s23], $0x1  }
0xa3: {  	[sflag:s23] =	ssyncset.done $0x0  }
0xa4: {  	s25 =	simm.s32 $0x1B8E;
	s24 =	sld [smem:$0x3FFE];
	[sflag:s23] =	ssyncadd.s32 $0xFFFFFFFF  }
0xa5: {  	s26 =	simm.s32 $execute0_lowered;
	[smem:$0x3FD2] =	sst s25  }
0xa6: {  	s5 =	sshll.u32 s26, $0x1;
	_ =	strace $0x80000046;
	[dreg:$0x1] =	wrdreg $0xFFFFFFFF  }
0xa7: {  	s28 =	simm.s32 $_size_execute0_lowered;
	s3 =	sadd.s32 s3, s5;
	[dreg:$0x0] =	wrdreg $0x0  }
0xa8: {  	s5 =	sshll.u32 s28, $0x1;
	[dreg:$0x2] =	wrdreg s3  }
0xa9: {  	[dreg:$0x3] =	wrdreg s5  }
0xaa: {  	[dreg:$0x4] =	wrdreg $0xC0  }
0xab: {  	_ =	task [dreg:s7], $0x5FFFF  }
0xac: {  	[dreg:$0x1] =	wrdreg $0xFFFFFFFF  }
0xad: {  	[dreg:$0x0] =	wrdreg $0x60  }
0xae: {  	[dreg:$0x2] =	wrdreg s2  }
0xaf: {  	[dreg:$0x3] =	wrdreg s24  }
0xb0: {  	[dreg:$0x4] =	wrdreg $0xA  }
0xb1: {  	_ =	task.clear_ibuf [dreg:s7], $0x5FFFF;
	_ =	strace $0x90000046  }
0xb2: {  	s29 =	simm.s32 $0xA;
	_ =	strace $0x80000048  }
0xb3: {  	_ =	swait.ge [sflag:s29], $0x1  }
0xb4: {  	[sflag:s29] =	ssyncadd.s32 $0xFFFFFFFF  }
0xb5: {  	_ =	strace $0x90000048  }
0xb6: {  	_ =	sfence  }
0xb7: {  	s30 =	sld [smem:$0x0];
	_ =	sdelay $0x2  }
0xb8: {  	s31 =	sshll.u32 s1, $0xD;
	s1 =	sshrl.u32 s1, $0x2  }
0xb9: {  	s3 =	sand.u32 $0x4000, s31;
	s1 =	sadd.s32 s1, s30  }
0xba: {  	s0 =	sor.u32 s3, s0;
	s1 =	sshll.u32 s1, $0x11  }
0xbb: {  	s0 =	sor.u32 s1, s0  }
0xbc: {  	s0 =	sadd.s32 $0x8F2B, s0  }
0xbd: {  	[sflag:s0] =	ssyncadd.remote.s32 $0x1  }
0xbe: {  	_ =	sfence.sel $0xFFFF  }
0xbf: {  	[dreg:$0x0] =	wrdreg $0xFFFFFFFF;
	(pc) =	sbr.abs _section_cstart, $3  }
0xc0: {  	[dreg:$0x1] =	wrdreg $0xFFFFFFFF  }
0xc1: {  	_ =	task.clear_ibuf [dreg:s7], $0x2FFFF;
	_ =	strace $0x9FFFFFFF  }
0xc2: {  	(tm) =	ssettm $0x7FFFFFFF  }
0xc3: {  	_ =	shalt  }
tec
execute0_lowered:
.L_overlay_start_1:
0x0: {  	(tag) =	ssettag $0x1  }
0x1: {  	s2 =	rddreg [dreg:$0x0]  }
0x2: {  	s8 =	rddreg [dreg:$0x1]  }
0x3: {  	s0 =	rddreg [dreg:$0x2];
	s1 =	stileid.u32  }
0x4: {  	s3 =	srdreg.scid;
	_ =	strace $0x80000047;
	s4 =	simm.s32 $0x1  }
0x5: {  	s7 =	simm.s32 $0x1;
	s9 =	simm.s32 $0x1;
	s10 =	simm.s32 $0x3  }
0x6: {  	s13 =	simm.s32 $0x0;
	s5 =	sand.u32 $0x1, s3;
	s6 =	sshll.u32 s1, $0x1  }
0x7: {  	s12 =	simm.s32 $0x0;
	s3 =	sadd.s32 $0x6E00, s8;
	s5 =	sor.u32 s6, s5  }
.Ltmp0:
0x8: {  	[sflag:s4] =	ssyncpa.u1 $0x0;
	p0 =	slt.u32 s5, $0x13;
	(pc) =	sbr.rel .LBB2_1-.Ltmp0, $4  }
0x9: {  	s6 =	simm.s32 $0x2;
	s7 =	simm.s32 @!p0 $0x0;
	p0 =	sne.s32 s5, $0x12  }
0xa: {  	[sflag:s6] =	ssyncpa.u1 $0x0;
	s5 =	smul.u32 $0x190, s5;
	s9 =	simm.s32 @!p0 $0x0  }
0xb: {  	s8 =	sadd.s32 $0xA4A00, s8;
	[sflag:s10] =	ssyncpa.u1 $0x0;
	s7 =	sadd.s32 s9, s7  }
0xc: {  	vm0 =	vmmov $0xffff;
	s10 =	simm.s32 $0x0;
	s11 =	smov.u32 s5;
	s9 =	sadd.s32 $0x1, s7  }
.LBB2_4:
0xd: {  	vm2 =	veq.s32 v2, $0x80000000;
	v4 =	vand.u32 $0x3, v4;
	v5 =	vor.u32 v6, v5  }
0xe: {  	v1 =	vand.u32 $0x7FFF, v1;
	v7 =	vshrl.u32 v2, $0xF;
	v56 =	vand.u32 $0x7FFF, v2  }
0xf: {  	v4 =	vsel vm1, $0xFFFFFFFF, v4;
	v3 =	vor.u32 v3, v5;
	v1 =	vsel vm1, $0xFFFFFFFF, v1  }
0x10: {  	vm1 =	vmmov vm2;
	v7 =	vand.u32 $0x3, v7;
	v54 =	vshrl.u32 v4, $0x2  }
0x11: {  	v4 =	vshll.u32 v4, $0x7;
	v55 =	vshll.u32 v1, $0x2;
	v57 =	vsel vm1, $0xFFFFFFFF, v7  }
0x12: {  	v2 =	vsel vm1, $0xFFFFFFFF, v56;
	v1 =	vand.u32 $0x7F, v1;
	v5 =	vmul.u32 $0x13A00, v54  }
0x13: {  	v6 =	vand.u32 $0xFFFFFE00, v55;
	v4 =	vand.u32 $0x180, v4;
	v7 =	vshrl.u32 v57, $0x2  }
0x14: {  	v59 =	vshll.u32 v2, $0x2;
	v58 =	vmul.u32 $0x13A00, v7;
	v5 =	vadd.s32 v6, v5  }
0x15: {  	v7 =	vand.u32 $0xFFFFFE00, v59;
	v6 =	vshll.u32 v57, $0x7;
	v4 =	vor.u32 v4, v5  }
0x16: {  	v60 =	vadd.s32 v7, v58;
	v61 =	vand.u32 $0x180, v6;
	v1 =	vor.u32 v1, v4  }
0x17: {  	[tilespmem:s16], [sflag:$0x1] =	stream.indirect_vreg.gather [hbm4b:s2+s10], $0x1, v0, vm0, $0x4038;
	v62 =	vand.u32 $0x7F, v2;
	v63 =	vor.u32 v61, v60;
	[tilespmem:$0x640] =	vst v63  }
0x18: {  	(ifvalue) =	ssetifvalue $0x7FFFFFFF;
	v0 =	vor.u32 v62, v63  }
0x19: {  	[tilespmem:s15], [sflag:$0x1] =	stream.indirect_vreg.gather [hbm4b:s2+s10], $0x1, v3, vm0, $0x4038;
	[tilespmem:$0x640] =	vst v63  }
0x1a: {  	s29 =	sadd.s32 $0x10, s15;
	(ifvalue) =	ssetifvalue $0x7FFFFFFF  }
0x1b: {  	[tilespmem:s29], [sflag:$0x1] =	stream.indirect_vreg.gather [hbm4b:s2+s10], $0x1, v1, vm0, $0x4038;
	[tilespmem:$0x640] =	vst v63  }
0x1c: {  	s15 =	sadd.s32 $0x10, s29;
	(ifvalue) =	ssetifvalue $0x7FFFFFFF  }
0x1d: {  	[tilespmem:s15], [sflag:$0x1] =	stream.indirect_vreg.gather [hbm4b:s2+s10], $0x1, v0, vm0, $0x4038;
	[tilespmem:$0x640] =	vst v63  }
0x1e: {  	_ =	swait.ge [sflag:s4], $0x190  }
0x1f: {  	s30 =	sshrl.u32 s13, $0x3;
	[sflag:s4] =	ssyncset.done $0x0  }
0x20: {  	s31 =	sand.u32 $0x7, s13;
	s15 =	sadd.s32 s8, s30;
	[sflag:s4] =	ssyncadd.s32 $0xFFFFFE70  }
0x21: {  	[hbm4b:s15+s31] =	stream.linear.scatter [tilespmem:s14], [sflag:$0x3], $0x190, $0x38;
	[tilespmem:$0x640] =	vst v63  }
.LBB2_5:
0x22: {  	s15 =	sadd.s32 $0x3200, s11  }
0x23: {  	p1 =	sgt.s32 s15, $0x4E1F  }
0x24: {  	s15 =	smov.u32 @p1 s5;
	p1 =	sne.s32 s12, s9  }
.Ltmp1:
0x25: {  	p0 =	slt.u32 s12, $0x2;
	(pc) =	sbr.rel @!p1 .LBB2_6-.Ltmp1, $4  }
0x26: {  	s14 =	simm.s32 @!p0 $0x3  }
0x27: {  	_ =	swait.ge @!p0 [sflag:s14], $0x190  }
0x28: {  	s16 =	sadd.s32 $0x1, s12;
	s13 =	smov.u32 s11;
	[sflag:s14] =	ssyncset.done @!p0 $0x0  }
0x29: {  	s12 =	smov.u32 s16;
	s11 =	smov.u32 s15;
	[sflag:s14] =	ssyncadd.s32 @!p0 $0xFFFFFE70  }
.LBB2_1:
0x2a: {  	p0 =	sge.u32 s12, s7  }
0x2b: {  	s14 =	sxor.u32 @!p0 $0x1, s12  }
0x2c: {  	s14 =	smul.u32 @!p0 $0x640, s14  }
0x2d: {  	s31 =	sadd.s32 $0xFFFFFFFF, s12;
	s15 =	sshrl.u32 @!p0 s11, $0x3  }
0x2e: {  	s16 =	sand.u32 @!p0 $0x7, s11;
	s15 =	sadd.s32 @!p0 s3, s15;
	s14 =	sshra.s32 @!p0 s14, $0x2  }
0x2f: {  	[tilespmem:s14], [sflag:$0x2] =	stream.linear.gather @!p0 [hbm4b:s15+s16], $0x190, $0x38;
	[tilespmem:$0x640] =	vst v63  }
0x30: {  	p0 =	sge.u32 s31, s7  }
.Ltmp2:
0x31: {  	_ = 	snop;
	(pc) =	sbr.rel @p0 .LBB2_5-.Ltmp2, $1  }
0x32: {  	_ =	sdelay $0x3  }
0x33: {  	s14 =	sand.u32 $0x1, s12  }
0x34: {  	_ =	swait.ge [sflag:s6], $0x190;
	p0 =	seq.s32 s14, $0x1;
	s14 =	simm.s32 $0x190  }
0x35: {  	[sflag:s6] =	ssyncset.done $0x0;
	s14 =	simm.s32 @!p0 $0x0  }
0x36: {  	[sflag:s6] =	ssyncadd.s32 $0xFFFFFE70;
	(ifvalue) =	ssetifvalue $0x7FFFFFFF;
	v0 =	vld.msk [tilespmem:s14+$0x0 ss:$0x1], $0xffff;
	_ =	sdelay $0x2  }
0x37: {  	s15 =	sadd.s32 $0x10, s14  }
0x38: {  	v2 =	vld.msk [tilespmem:s15+$0x0 ss:$0x1], $0xffff  }
0x39: {  	vm1 =	veq.s32 v0, $0x80000000;
	v1 =	vshrl.u32 v0, $0xF  }
0x3a: {  	vm1 =	vmmov vm1;
	v3 =	vand.u32 $0x3, v1  }
0x3b: {  	v0 =	vand.u32 $0x7FFF, v0;
	v3 =	vsel vm1, $0xFFFFFFFF, v3  }
0x3c: {  	s15 =	sadd.s32 $0x10, s15;
	v0 =	vsel vm1, $0xFFFFFFFF, v0;
	v4 =	vshrl.u32 v3, $0x2  }
0x3d: {  	v1 =	vld.msk [tilespmem:s15+$0x0 ss:$0x1], $0xffff;
	v6 =	vshrl.u32 v2, $0xF;
	v5 =	vshll.u32 v0, $0x2;
	v4 =	vmul.u32 $0x13A00, v4  }
0x3e: {  	vm1 =	veq.s32 v2, $0x80000000;
	v3 =	vshll.u32 v3, $0x7;
	v5 =	vand.u32 $0xFFFFFE00, v5  }
0x3f: {  	v0 =	vand.u32 $0x7F, v0;
	v3 =	vand.u32 $0x180, v3;
	v4 =	vadd.s32 v5, v4  }
0x40: {  	vm1 =	vmmov vm1;
	v5 =	vand.u32 $0x3, v6;
	v3 =	vor.u32 v3, v4  }
0x41: {  	v2 =	vand.u32 $0x7FFF, v2;
	v4 =	vsel vm1, $0xFFFFFFFF, v5;
	v0 =	vor.u32 v0, v3  }
0x42: {  	s15 =	sadd.s32 $0x10, s15;
	vm2 =	veq.s32 v1, $0x80000000;
	v3 =	vsel vm1, $0xFFFFFFFF, v2;
	v2 =	vshrl.u32 v4, $0x2  }
0x43: {  	s14 =	sadd.s32 $0x320, s14;
	v6 =	vshll.u32 v4, $0x7;
	v5 =	vmul.u32 $0x13A00, v2;
	v4 =	vshll.u32 v3, $0x2;
	v2 =	vld.msk [tilespmem:s15+$0x0 ss:$0x1], $0xffff  }
0x44: {  	s17 =	simm.s32 $0x30;
	s16 =	smov.u32 s14;
	vm1 =	vmmov vm2;
	v3 =	vand.u32 $0x7F, v3;
	v7 =	vand.u32 $0xFFFFFE00, v4  }
0x45: {  	s18 =	sadd.s32 $0x10, s15;
	v6 =	vand.u32 $0x180, v6;
	(ifvalue) =	ssetifvalue $0x7FFFFFFF;
	s15 =	sadd.s32 $0x10, s14;
	v4 =	vshrl.u32 v1, $0xF;
	v5 =	vadd.s32 v7, v5  }
.LBB2_3:
0x46: {  	[tilespmem:s16], [sflag:$0x1] =	stream.indirect_vreg.gather [hbm4b:s2+s10], $0x1, v0, vm0, $0x4038;
	[tilespmem:$0x640] =	vst v63  }
0x47: {  	s17 =	sadd.s32 $0x10, s17  }
0x48: {  	vm2 =	veq.s32 v2, $0x80000000;
	v4 =	vand.u32 $0x3, v4;
	v5 =	vor.u32 v6, v5;
	v6 =	vmovc v2;
	v2 =	vld.msk [tilespmem:s18+$0x0 ss:$0x1], $0xffff;
	p0 =	slt.u32 s17, $0x180  }
.Ltmp3:
0x49: {  	v7 =	vand.u32 $0x7FFF, v1;
	s16 =	smov.u32 s15;
	v4 =	vsel vm1, $0xFFFFFFFF, v4;
	v0 =	vor.u32 v3, v5;
	v1 =	vmovc v6;
	(pc) =	sbr.rel @p0 .LBB2_3-.Ltmp3, $4  }
0x4a: {  	v5 =	vsel vm1, $0xFFFFFFFF, v7;
	v6 =	vshrl.u32 v4, $0x2;
	v7 =	vshll.u32 v4, $0x7  }
0x4b: {  	v3 =	vand.u32 $0x7F, v5;
	v4 =	vshll.u32 v5, $0x2;
	v6 =	vmul.u32 $0x13A00, v6  }
0x4c: {  	vm1 =	vmmov vm2;
	v5 =	vand.u32 $0xFFFFFE00, v4  }
0x4d: {  	s18 =	sadd.s32 $0x10, s18;
	s15 =	sadd.s32 $0x10, s15;
	v4 =	vshrl.u32 v1, $0xF;
	v5 =	vadd.s32 v5, v6;
	v6 =	vand.u32 $0x180, v7;
	(ifvalue) =	ssetifvalue $0x7FFFFFFF  }
.Ltmp4:
0x4e: {  	_ = 	snop;
	(pc) =	sbr.rel .LBB2_4-.Ltmp4, $1  }
0x4f: {  	_ =	sdelay $0x3  }
.LBB2_6:
0x50: {  	_ =	sfence.sel $0x180000  }
0x51: {  	s2 =	simm.s32 $0x2;
	[bflag:$0x0] =	sbarrier.arrive $0xFFFF  }
0x52: {  	s30 =	simm.s32 $0x3;
	[sflag:s2] =	ssyncpa.u1 $0x1  }
0x53: {  	s31 =	simm.s32 $0x1;
	[sflag:s30] =	ssyncpa.u1 $0x1  }
0x54: {  	[sflag:s31] =	ssyncpa.u1 $0x1  }
0x55: {  	p0 =	sne.s32 s1, $0x0;
	_ =	strace $0x90000047  }
0x56: {  	s0 =	sadd.s32 @!p0 $0x100000, s0;
	[bflag:$0x2] =	sbarrier.arrive $0xFFFF  }
0x57: {  	[sflag:s0] =	ssyncadd.tile.s32 @!p0 $0x1;
	_ =	shalt  }
.Lfunc_end2:
_tile_overlayer_lowered:
.L_overlay_start_2:
0x58: {  	(tag) =	ssettag $0x2  }
0x59: {  	s0 =	rddreg [dreg:$0x0];
	s2 =	stileid.u32  }
0x5a: {  	s1 =	rddreg [dreg:$0x1];
	p0 =	sne.s32 s2, $0x0  }
0x5b: {  	s3 =	rddreg [dreg:$0x2];
	[bflag:$0x3] =	sbarrier.arrive $0xFFFF;
	s2 =	simm.s32 @!p0 $0x1C01  }
0x5c: {  	[timem:s3], [sflag:s2] =	dma.local @!p0 [hbm:s0], s1  }
0x5d: {  	s0 =	simm.s32 @!p0 $0x1  }
0x5e: {  	_ =	swait.ge @!p0 [sflag:s0], s1  }
0x5f: {  	s1 =	ssub.s32 @!p0 $0x0, s1;
	[sflag:s0] =	ssyncset.done @!p0 $0x0  }
0x60: {  	[sflag:s0] =	ssyncadd.s32 @!p0 s1  }
0x61: {  	[bflag:$0x3] =	sbarrier.arrive $0xFFFF  }
0x62: {  	_ =	shalt  }

// kernel: gather_offload_async_start
scs
__scs_entry_jumppad:
0x0: {  	(pc) =	sbr.rel $0x88, $3  }
0x1: {  	(tag) =	ssettag $0x0;
	lr =	simm.s32 $0x1  }
0x2: {  	[smem:$0x3F98] =	sst lr;
	_ =	strace $0xD0000000  }
0x3: {  	_ = 	snop  }
0x4: {  	_ = 	snop  }
0x5: {  	_ = 	snop  }
0x6: {  	_ = 	snop  }
0x7: {  	_ = 	snop  }
__scs_overlays_trampoline_lowered:
0x8: {  	[smem:$0x3FA7] =	sst s0  }
0x9: {  	[smem:$0x3FA8] =	sst s1  }
0xa: {  	[smem:$0x3FA9] =	sst s2  }
0xb: {  	[smem:$0x3FAA] =	sst s3  }
0xc: {  	[smem:$0x3FAB] =	sst s4  }
0xd: {  	[smem:$0x3FAC] =	sst s5  }
0xe: {  	[smem:$0x3FAD] =	sst s6  }
0xf: {  	[smem:$0x3FAE] =	sst s7  }
0x10: {  	[smem:$0x3FAF] =	sst s8  }
0x11: {  	[smem:$0x3FB0] =	sst s9;
	s0 =	simm.s32 @!p0 $0x0  }
0x12: {  	s1 =	sld [smem:$0x3F96];
	s0 =	simm.s32 @p0 $0x1  }
0x13: {  	[smem:$0x3FB1] =	sst s0;
	s0 =	simm.s32 @!p1 $0x0  }
0x14: {  	s2 =	sld [smem:$0x3F95];
	s0 =	simm.s32 @p1 $0x1  }
0x15: {  	[smem:$0x3FB2] =	sst s0;
	s0 =	simm.s32 @!p2 $0x0  }
0x16: {  	s3 =	sld [smem:$0x3FDB];
	s0 =	simm.s32 @p2 $0x1  }
0x17: {  	s4 =	simm.s32 $0x1BF5;
	[smem:$0x3FB4] =	sst s0  }
0x18: {  	s0 =	sld [smem:$0x3F97];
	_ =	swait.ge [sflag:s4], $0x0  }
0x19: {  	s7 =	sld [smem:$0x3F98]  }
0x1a: {  	s8 =	sadd.s32 $0xFFFFE003, lr  }
0x1b: {  	s9 =	sadd.s32 $0xFFFFFEF7, lr;
	s5 =	simm.s32 $0xFFFFFFFF;
	p2 =	slt.u32 s8, $0xFFFFF086  }
0x1c: {  	p1 =	slt.u32 s9, $0xF7A;
	s5 =	simm.s32 @!p2 $0x0  }
0x1d: {  	s5 =	simm.s32 @p1 $0x1;
	p0 =	seq.s32 s7, s2  }
0x1e: {  	s7 =	smul.u32 @!p0 $0xF7A, s2;
	p2 =	seq.s32 @!p0 s5, $0x0  }
0x1f: {  	s9 =	smul.u32 $0xF7A, s1;
	s8 =	simm.s32 @!p0 $0x1BF5;
	p2 =	por !p2, p0  }
0x20: {  	[sflag:s8] =	ssyncset.s32 @!p0 $0xFFFFF086;
	s6 =	sadd.s32 @!p0 s3, s7;
	s7 =	simm.s32 @!p0 $0x108  }
0x21: {  	s3 =	sadd.s32 s3, s9;
	s6 =	sadd.s32 @!p0 $0x88, s6;
	s7 =	simm.s32 @p2 $0x1082  }
0x22: {  	[simem:s7], [sflag:s8] =	dma.local @!p0 [hbm:s6], $0xF7A  }
0x23: {  	s9 =	sor.u32 $0xD0000000, s2;
	s6 =	simm.s32 $0x108;
	_ =	swait.ge @!p0 [sflag:s8], $0x0  }
0x24: {  	s3 =	sadd.s32 $0x88, s3;
	s6 =	simm.s32 @!p1 $0x1082;
	[sflag:s4] =	ssyncset.s32 $0xFFFFF086  }
0x25: {  	[simem:s6], [sflag:s4] =	dma.local [hbm:s3], $0xF7A  }
0x26: {  	[smem:$0x3F98] =	sst s1;
	(tag) =	ssettag s2;
	_ =	strace s9  }
0x27: {  	s1 =	sld [smem:$0x3FA8]  }
0x28: {  	s2 =	sld [smem:$0x3FA9]  }
0x29: {  	s4 =	sld [smem:$0x3FAB]  }
0x2a: {  	p0 =	seq.s32 s5, $0x0;
	s5 =	sld [smem:$0x3FAC]  }
0x2b: {  	s6 =	sld [smem:$0x3FAD]  }
0x2c: {  	s7 =	sld [smem:$0x3FAE]  }
0x2d: {  	s3 =	simm.s32 $0x108;
	s8 =	sld [smem:$0x3FAF]  }
0x2e: {  	s3 =	simm.s32 @!p0 $0x1082;
	s9 =	sld [smem:$0x3FB0]  }
0x2f: {  	lr =	sadd.s32 s0, s3;
	s0 =	sld [smem:$0x3FA7]  }
0x30: {  	s3 =	sld [smem:$0x3FAA]  }
0x31: {  	[smem:$0x3FB3] =	sst s10  }
0x32: {  	s10 =	sld [smem:$0x3FB1];
	_ =	sdelay $0x3  }
0x33: {  	p0 =	seq.s32 s10, $0x1;
	s10 =	sld [smem:$0x3FB3];
	_ =	sdelay $0x3  }
0x34: {  	[smem:$0x3FB3] =	sst s10  }
0x35: {  	s10 =	sld [smem:$0x3FB2];
	_ =	sdelay $0x3  }
0x36: {  	p1 =	seq.s32 s10, $0x1;
	s10 =	sld [smem:$0x3FB3];
	_ =	sdelay $0x3  }
0x37: {  	[smem:$0x3FB3] =	sst s10  }
0x38: {  	s10 =	sld [smem:$0x3FB4]  }
0x39: {  	_ = 	snop;
	(pc) =	sbr.ind lr, $3  }
0x3a: {  	_ = 	snop  }
0x3b: {  	_ = 	snop  }
0x3c: {  	p2 =	seq.s32 s10, $0x1;
	s10 =	sld [smem:$0x3FB3]  }
0x3d: {  	_ =	shalt  }
0x3e: {  	_ =	shalt  }
0x3f: {  	_ =	shalt  }
0x40: {  	_ =	shalt  }
0x41: {  	_ =	shalt  }
0x42: {  	_ =	shalt  }
0x43: {  	_ =	shalt  }
0x44: {  	_ =	shalt  }
0x45: {  	_ =	shalt  }
0x46: {  	_ =	shalt  }
0x47: {  	_ =	shalt  }
0x48: {  	_ =	shalt  }
0x49: {  	_ =	shalt  }
0x4a: {  	_ =	shalt  }
0x4b: {  	_ =	shalt  }
0x4c: {  	_ =	shalt  }
0x4d: {  	_ =	shalt  }
0x4e: {  	_ =	shalt  }
0x4f: {  	_ =	shalt  }
0x50: {  	_ =	shalt  }
0x51: {  	_ =	shalt  }
0x52: {  	_ =	shalt  }
0x53: {  	_ =	shalt  }
0x54: {  	_ =	shalt  }
0x55: {  	_ =	shalt  }
0x56: {  	_ =	shalt  }
0x57: {  	_ =	shalt  }
0x58: {  	_ =	shalt  }
0x59: {  	_ =	shalt  }
0x5a: {  	_ =	shalt  }
0x5b: {  	_ =	shalt  }
0x5c: {  	_ =	shalt  }
0x5d: {  	_ =	shalt  }
0x5e: {  	_ =	shalt  }
0x5f: {  	_ =	shalt  }
0x60: {  	_ =	shalt  }
0x61: {  	_ =	shalt  }
0x62: {  	_ =	shalt  }
0x63: {  	_ =	shalt  }
0x64: {  	_ =	shalt  }
0x65: {  	_ =	shalt  }
0x66: {  	_ =	shalt  }
0x67: {  	_ =	shalt  }
0x68: {  	_ =	shalt  }
0x69: {  	_ =	shalt  }
0x6a: {  	_ =	shalt  }
0x6b: {  	_ =	shalt  }
0x6c: {  	_ =	shalt  }
0x6d: {  	_ =	shalt  }
0x6e: {  	_ =	shalt  }
0x6f: {  	_ =	shalt  }
0x70: {  	_ =	shalt  }
0x71: {  	_ =	shalt  }
0x72: {  	_ =	shalt  }
0x73: {  	_ =	shalt  }
0x74: {  	_ =	shalt  }
0x75: {  	_ =	shalt  }
0x76: {  	_ =	shalt  }
0x77: {  	_ =	shalt  }
0x78: {  	_ =	shalt  }
0x79: {  	_ =	shalt  }
0x7a: {  	_ =	shalt  }
0x7b: {  	_ =	shalt  }
0x7c: {  	_ =	shalt  }
0x7d: {  	_ =	shalt  }
0x7e: {  	_ =	shalt  }
0x7f: {  	_ =	shalt  }
0x80: {  	_ =	shalt  }
0x81: {  	_ =	shalt  }
0x82: {  	_ =	shalt  }
0x83: {  	_ =	shalt  }
0x84: {  	_ =	shalt  }
0x85: {  	_ =	shalt  }
0x86: {  	_ =	shalt  }
0x87: {  	_ =	shalt  }
.Lfunc_end0:
.L_simem_size_0:
called_computation_lowered:
.L_overlay_start_0:
0x88: {  	s2 =	sld [smem:$0x3FD9]  }
0x89: {  	s3 =	sld [smem:$0x3FFE];
	_ =	sdelay $0x1  }
0x8a: {  	s1 =	srdreg.scid  }
0x8b: {  	s0 =	sand.u32 $0x1, s1  }
0x8c: {  	s17 =	sshll.u32 s0, $0xA;
	s2 =	sadd.s32 s3, s2  }
0x8d: {  	s2 =	sadd.s32 s2, s17  }
0x8e: {  	[smem:$0x3FBF] =	sst s2  }
0x8f: {  	_ = 	snop  }
0x90: {  	(tm) =	ssettm $0x1  }
0x91: {  	s18 =	sld [smem:$0x3FFB];
	_ =	sdelay $0x3  }
0x92: {  	_ =	strace s18  }
0x93: {  	s2 =	sld [smem:$0x3FFC];
	_ =	sdelay $0x3  }
0x94: {  	_ =	strace s2  }
0x95: {  	s2 =	sld [smem:$0x3FFD];
	_ =	sdelay $0x3  }
0x96: {  	_ =	strace s2  }
0x97: {  	_ =	strace $0x8FFFFFFF  }
0x98: {  	s19 =	sld [smem:$0x3FDB];
	_ =	sdelay $0x1  }
0x99: {  	s20 =	simm.s32 $_scs_section_size  }
0x9a: {  	s4 =	simm.s32 $_size__tile_overlayer_lowered;
	s5 =	simm.s32 $_tile_overlayer_lowered  }
0x9b: {  	s6 =	simm.s32 $0x1BFF;
	s21 =	sshll.u32 s5, $0x1;
	s3 =	sadd.s32 s20, s19  }
0x9c: {  	s22 =	simm.s32 $0x0;
	s4 =	sshll.u32 s4, $0x1;
	s5 =	sadd.s32 s21, s3  }
0x9d: {  	[timem:s22], [sflag:s6] =	dma.local [hbm:s5], s4  }
0x9e: {  	_ =	swait.ge [sflag:s6], s4  }
0x9f: {  	s4 =	ssub.s32 $0x0, s4;
	[sflag:s6] =	ssyncset.done $0x0  }
0xa0: {  	[sflag:s6] =	ssyncadd.s32 s4;
	_ =	sdelay $0x1  }
0xa1: {  	s23 =	simm.s32 $0x1B8B  }
0xa2: {  	_ =	swait.ge [sflag:s23], $0x1  }
0xa3: {  	[sflag:s23] =	ssyncset.done $0x0  }
0xa4: {  	[sflag:s23] =	ssyncadd.s32 $0xFFFFFFFF  }
0xa5: {  	s4 =	sld [smem:$0x0]  }
0xa6: {  	s5 =	sand.u32 $0xFFFFFFFE, s1  }
0xa7: {  	p0 =	sne.s32 s1, s5  }
0xa8: {  	s5 =	sshll.u32 @p0 s5, $0xE  }
0xa9: {  	s5 =	sadd.s32 @p0 $0x11B8D, s5;
	s6 =	sshll.u32 @p0 s4, $0x11  }
0xaa: {  	s5 =	sor.u32 @p0 s6, s5  }
0xab: {  	[sflag:s5] =	ssyncadd.remote.s32 @p0 $0x1;
	_ =	sdelay $0x1  }
0xac: {  	s5 =	simm.s32 @p0 $0x1B8D  }
0xad: {  	_ =	swait.eq @p0 [sflag:s5], $0x1  }
0xae: {  	[sflag:s5] =	ssyncadd.s32 @p0 $0xFFFFFFFF  }
0xaf: {  	s6 =	sshll.u32 @!p0 s1, $0xE  }
0xb0: {  	s6 =	sor.u32 @!p0 $0x4000, s6;
	s5 =	simm.s32 @!p0 $0x1B8D  }
0xb1: {  	s4 =	sshll.u32 @!p0 s4, $0x11;
	s6 =	sadd.s32 @!p0 $0x11B8D, s6;
	_ =	swait.eq @!p0 [sflag:s5], $0x1  }
0xb2: {  	s4 =	sor.u32 @!p0 s4, s6;
	[sflag:s5] =	ssyncadd.s32 @!p0 $0xFFFFFFFF  }
0xb3: {  	s25 =	simm.s32 $0x1B8E;
	s24 =	sld [smem:$0x3FFE];
	[sflag:s4] =	ssyncadd.remote.s32 @!p0 $0x1  }
0xb4: {  	s26 =	simm.s32 $execute0_lowered;
	[smem:$0x3FD2] =	sst s25  }
0xb5: {  	s5 =	sshll.u32 s26, $0x1;
	_ =	strace $0x8000004F;
	[dreg:$0x1] =	wrdreg $0xFFFFFFFF  }
0xb6: {  	s28 =	simm.s32 $_size_execute0_lowered;
	s3 =	sadd.s32 s3, s5;
	[dreg:$0x0] =	wrdreg $0x0  }
0xb7: {  	s5 =	sshll.u32 s28, $0x1;
	[dreg:$0x2] =	wrdreg s3  }
0xb8: {  	[dreg:$0x3] =	wrdreg s5  }
0xb9: {  	[dreg:$0x4] =	wrdreg $0xC0  }
0xba: {  	_ =	task [dreg:s22], $0x5FFFF  }
0xbb: {  	[dreg:$0x1] =	wrdreg $0xFFFFFFFF  }
0xbc: {  	[dreg:$0x0] =	wrdreg $0x60  }
0xbd: {  	[dreg:$0x2] =	wrdreg s24  }
0xbe: {  	[dreg:$0x3] =	wrdreg $0x9  }
0xbf: {  	_ =	task.clear_ibuf [dreg:s22], $0x4FFFF;
	_ =	strace $0x9000004F  }
0xc0: {  	s29 =	simm.s32 $0x9;
	_ =	strace $0x80000051  }
0xc1: {  	_ =	swait.ge [sflag:s29], $0x1  }
0xc2: {  	[sflag:s29] =	ssyncadd.s32 $0xFFFFFFFF  }
0xc3: {  	_ =	strace $0x90000051  }
0xc4: {  	_ =	sfence  }
0xc5: {  	s30 =	sld [smem:$0x0];
	_ =	sdelay $0x2  }
0xc6: {  	s31 =	sshll.u32 s1, $0xD;
	s1 =	sshrl.u32 s1, $0x2  }
0xc7: {  	s4 =	sand.u32 $0x4000, s31;
	s1 =	sadd.s32 s1, s30  }
0xc8: {  	s0 =	sor.u32 s4, s0;
	s1 =	sshll.u32 s1, $0x11  }
0xc9: {  	s0 =	sor.u32 s1, s0  }
0xca: {  	s0 =	sadd.s32 $0x8F2B, s0  }
0xcb: {  	[sflag:s0] =	ssyncadd.remote.s32 $0x1  }
0xcc: {  	_ =	sfence.sel $0xFFFF  }
0xcd: {  	[dreg:$0x0] =	wrdreg $0xFFFFFFFF;
	(pc) =	sbr.abs _section_cstart, $3  }
0xce: {  	[dreg:$0x1] =	wrdreg $0xFFFFFFFF  }
0xcf: {  	_ =	task.clear_ibuf [dreg:s22], $0x2FFFF;
	_ =	strace $0x9FFFFFFF  }
0xd0: {  	(tm) =	ssettm $0x7FFFFFFF  }
0xd1: {  	_ =	shalt  }
tec
execute0_lowered:
.L_overlay_start_1:
0x0: {  	(tag) =	ssettag $0x1  }
0x1: {  	s0 =	srdreg.scid;
	s5 =	rddreg [dreg:$0x0]  }
0x2: {  	s1 =	stileid.u32;
	s6 =	simm.s32 $0x1;
	s9 =	simm.s32 $0x1  }
0x3: {  	s10 =	simm.s32 $0x3;
	s13 =	simm.s32 $0x0;
	s2 =	sshll.u32 s0, $0x8  }
0x4: {  	s12 =	simm.s32 $0x0;
	s3 =	sshll.u32 s1, $0x9;
	s2 =	sand.u32 $0x100, s2  }
0x5: {  	s0 =	rddreg [dreg:$0x1];
	_ =	strace $0x80000050;
	s2 =	sor.u32 s3, s2  }
0x6: {  	s4 =	sadd.s32 $0x7800, s5;
	[sflag:s6] =	ssyncpa.u1 $0x0;
	s8 =	ssub.s32 $0x4000, s2  }
.Ltmp0:
0x7: {  	s3 =	sadd.s32 $0x3200, s5;
	s7 =	sand.u32 $0x1F00, s8;
	(pc) =	sbr.rel .LBB2_1-.Ltmp0, $4  }
0x8: {  	s5 =	sadd.s32 $0x3C00, s5;
	s11 =	smov.u32 s2;
	p0 =	sne.s32 s7, $0x0  }
0x9: {  	s8 =	sshrl.u32 s8, $0xD;
	s7 =	simm.s32 $0x2;
	s9 =	simm.s32 @!p0 $0x0  }
0xa: {  	[sflag:s7] =	ssyncpa.u1 $0x0;
	p0 =	por $0x0, $0x0;
	s8 =	sadd.s32 s9, s8  }
0xb: {  	vm0 =	vmmov $0xffff;
	[sflag:s10] =	ssyncpa.u1 $0x0;
	s10 =	simm.s32 $0x0;
	s9 =	sadd.s32 $0x1, s8  }
.LBB2_4:
0xc: {  	v2 =	vnsel vm1, $0x0, v2  }
0xd: {  	vm1 =	vgt.s32 v0, $0x0;
	v2 =	vmin.u32 v2, $0x4E1F  }
0xe: {  	v0 =	vnsel vm1, $0x0, v0  }
0xf: {  	v0 =	vmin.u32 v0, $0x4E1F  }
0x10: {  	[tilespmem:s15], [sflag:$0x1] =	stream.indirect_vreg.gather [hbm4b:s3+s10], $0x1, v1, vm0, $0x4038;
	[tilespmem:$0x400] =	vst v63  }
0x11: {  	(ifvalue) =	ssetifvalue $0x7FFFFFFF  }
0x12: {  	[tilespmem:s16], [sflag:$0x1] =	stream.indirect_vreg.gather [hbm4b:s3+s10], $0x1, v2, vm0, $0x4038;
	[tilespmem:$0x400] =	vst v63  }
0x13: {  	s29 =	sadd.s32 $0x10, s16;
	(ifvalue) =	ssetifvalue $0x7FFFFFFF  }
0x14: {  	[tilespmem:s29], [sflag:$0x1] =	stream.indirect_vreg.gather [hbm4b:s3+s10], $0x1, v0, vm0, $0x4038;
	[tilespmem:$0x400] =	vst v63  }
0x15: {  	_ =	swait.ge [sflag:s6], $0x100  }
0x16: {  	s30 =	sshrl.u32 s13, $0x3;
	[sflag:s6] =	ssyncset.done $0x0  }
0x17: {  	s31 =	sand.u32 $0x7, s13;
	s15 =	sadd.s32 s5, s30;
	[sflag:s6] =	ssyncadd.s32 $0xFFFFFF00  }
0x18: {  	[hbm4b:s15+s31] =	stream.linear.scatter [tilespmem:s14], [sflag:$0x3], $0x100, $0x38;
	[tilespmem:$0x400] =	vst v63  }
.LBB2_5:
0x19: {  	s15 =	sadd.s32 $0x2000, s11  }
0x1a: {  	p2 =	sgt.s32 s15, $0x3FFF  }
0x1b: {  	s15 =	smov.u32 @p2 s2;
	p2 =	sne.s32 s12, s9  }
.Ltmp1:
0x1c: {  	p1 =	slt.u32 s12, $0x2;
	(pc) =	sbr.rel @!p2 .LBB2_6-.Ltmp1, $4  }
0x1d: {  	s14 =	simm.s32 @!p1 $0x3  }
0x1e: {  	s16 =	sadd.s32 $0x1, s12;
	_ =	swait.ge @!p1 [sflag:s14], $0x100  }
0x1f: {  	s13 =	smov.u32 s11;
	p0 =	por !p0, !p0;
	[sflag:s14] =	ssyncset.done @!p1 $0x0  }
0x20: {  	s12 =	smov.u32 s16;
	s11 =	smov.u32 s15;
	[sflag:s14] =	ssyncadd.s32 @!p1 $0xFFFFFF00  }
.LBB2_1:
0x21: {  	p1 =	sge.u32 s12, s8  }
0x22: {  	s14 =	sxor.u32 @!p1 $0xFFFFFFFF, s12  }
0x23: {  	s31 =	sadd.s32 $0xFFFFFFFF, s12;
	s15 =	sshrl.u32 @!p1 s11, $0x3;
	s14 =	sshll.u32 @!p1 s14, $0x8  }
0x24: {  	s16 =	sand.u32 @!p1 $0x7, s11;
	s15 =	sadd.s32 @!p1 s4, s15;
	s14 =	sand.u32 @!p1 $0x100, s14  }
0x25: {  	[tilespmem:s14], [sflag:$0x2] =	stream.linear.gather @!p1 [hbm4b:s15+s16], $0x100, $0x38;
	[tilespmem:$0x400] =	vst v63  }
0x26: {  	p1 =	sge.u32 s31, s8  }
.Ltmp2:
0x27: {  	_ = 	snop;
	(pc) =	sbr.rel @p1 .LBB2_5-.Ltmp2, $1  }
0x28: {  	_ =	sdelay $0x3  }
0x29: {  	s14 =	simm.s32 $0x1  }
0x2a: {  	_ =	swait.ge [sflag:s7], $0x100;
	s14 =	simm.s32 @!p0 $0x0  }
0x2b: {  	[sflag:s7] =	ssyncset.done $0x0;
	s14 =	sshll.u32 s14, $0x8  }
0x2c: {  	[sflag:s7] =	ssyncadd.s32 $0xFFFFFF00;
	(ifvalue) =	ssetifvalue $0x7FFFFFFF;
	v0 =	vld.msk [tilespmem:s14+$0x0 ss:$0x1], $0xffff;
	_ =	sdelay $0x4  }
0x2d: {  	s15 =	sadd.s32 $0x10, s14;
	vm1 =	vgt.s32 v0, $0x0  }
0x2e: {  	v2 =	vld.msk [tilespmem:s15+$0x0 ss:$0x1], $0xffff;
	v1 =	vnsel vm1, $0x0, v0  }
0x2f: {  	v1 =	vmin.u32 v1, $0x4E1F;
	_ =	sdelay $0x1  }
0x30: {  	s16 =	sshll.u32 s12, $0x8;
	s18 =	simm.s32 $0x20  }
0x31: {  	s16 =	sand.u32 $0x100, s16;
	s17 =	sadd.s32 $0x10, s15;
	s15 =	sor.u32 $0x200, s14  }
0x32: {  	s14 =	sor.u32 $0x200, s16;
	s16 =	sadd.s32 $0x10, s15;
	v0 =	vld.msk [tilespmem:s17+$0x0 ss:$0x1], $0xffff;
	vm1 =	vgt.s32 v2, $0x0;
	(ifvalue) =	ssetifvalue $0x7FFFFFFF  }
.LBB2_3:
0x33: {  	[tilespmem:s15], [sflag:$0x1] =	stream.indirect_vreg.gather [hbm4b:s3+s10], $0x1, v1, vm0, $0x4038;
	[tilespmem:$0x400] =	vst v63  }
0x34: {  	s18 =	sadd.s32 $0x10, s18  }
0x35: {  	v2 =	vnsel vm1, $0x0, v2;
	p1 =	slt.u32 s18, $0xF0  }
.Ltmp3:
0x36: {  	s15 =	smov.u32 s16;
	v1 =	vmin.u32 v2, $0x4E1F;
	(pc) =	sbr.rel @p1 .LBB2_3-.Ltmp3, $3  }
0x37: {  	_ =	sdelay $0x1  }
0x38: {  	s17 =	sadd.s32 $0x10, s17  }
0x39: {  	vm1 =	vgt.s32 v0, $0x0;
	s16 =	sadd.s32 $0x10, s16;
	v2 =	vmov v0;
	(ifvalue) =	ssetifvalue $0x7FFFFFFF;
	v0 =	vld.msk [tilespmem:s17+$0x0 ss:$0x1], $0xffff  }
.Ltmp4:
0x3a: {  	_ = 	snop;
	(pc) =	sbr.rel .LBB2_4-.Ltmp4, $1  }
0x3b: {  	_ =	sdelay $0x3  }
.LBB2_6:
0x3c: {  	_ =	sfence.sel $0x180000  }
0x3d: {  	s2 =	simm.s32 $0x2;
	[bflag:$0x0] =	sbarrier.arrive $0xFFFF  }
0x3e: {  	s30 =	simm.s32 $0x3;
	[sflag:s2] =	ssyncpa.u1 $0x1  }
0x3f: {  	s31 =	simm.s32 $0x1;
	[sflag:s30] =	ssyncpa.u1 $0x1  }
0x40: {  	[sflag:s31] =	ssyncpa.u1 $0x1  }
0x41: {  	p0 =	sne.s32 s1, $0x0;
	_ =	strace $0x90000050  }
0x42: {  	s0 =	sadd.s32 @!p0 $0x100000, s0;
	[bflag:$0x2] =	sbarrier.arrive $0xFFFF  }
0x43: {  	[sflag:s0] =	ssyncadd.tile.s32 @!p0 $0x1;
	_ =	shalt  }
.Lfunc_end2:
_tile_overlayer_lowered:
.L_overlay_start_2:
0x44: {  	(tag) =	ssettag $0x2  }
0x45: {  	s0 =	rddreg [dreg:$0x0];
	s2 =	stileid.u32  }
0x46: {  	s1 =	rddreg [dreg:$0x1];
	p0 =	sne.s32 s2, $0x0  }
0x47: {  	s3 =	rddreg [dreg:$0x2];
	[bflag:$0x3] =	sbarrier.arrive $0xFFFF;
	s2 =	simm.s32 @!p0 $0x1C01  }
0x48: {  	[timem:s3], [sflag:s2] =	dma.local @!p0 [hbm:s0], s1  }
0x49: {  	s0 =	simm.s32 @!p0 $0x1  }
0x4a: {  	_ =	swait.ge @!p0 [sflag:s0], s1  }
0x4b: {  	s1 =	ssub.s32 @!p0 $0x0, s1;
	[sflag:s0] =	ssyncset.done @!p0 $0x0  }
0x4c: {  	[sflag:s0] =	ssyncadd.s32 @!p0 s1  }
0x4d: {  	[bflag:$0x3] =	sbarrier.arrive $0xFFFF  }
0x4e: {  	_ =	shalt  }

</sc_bundles>
